<compile_context>
chip_gen: v7x
topology: tpu7x:2x2x1
jax: 0.10.2.dev20260603
libtpu: 0.0.44.dev20260713+nightly
codegen_flags: <defaults>
</compile_context>

<pallas_src>
import functools

import jax
import jax.numpy as jnp
from jax import lax
from jax.experimental import pallas as pl
from jax.experimental.pallas import tpu as pltpu
from jax.experimental.pallas import tpu_sc as plsc

EMBED_DIM = 64
PD = 2 * EMBED_DIM
NC = 2
NS = 16
NW = NC * NS
NGRP = 3


def _emb_body(table, idx_hbm, out, idx_v, rows_v, gs0, gs1, gs2, os0, os1, os2):
    wid = lax.axis_index("s") * NC + lax.axis_index("c")
    e_per_w = idx_hbm.shape[0] // NW
    seq = idx_hbm.shape[1]
    base = wid * e_per_w

    pltpu.sync_copy(idx_hbm.at[pl.ds(base, e_per_w)], idx_v)

    gsems = (gs0, gs1, gs2)
    osems = (os0, os1, os2)
    splits = [(0, 128), (128, seq - 128)]

    def fire_g(b, grp):
        for (o, n) in splits:
            pltpu.async_copy(table.at[idx_v.at[b, pl.ds(o, n)]],
                             rows_v.at[grp, pl.ds(o, n)], gsems[grp])

    def wait_g(b, grp):
        for (o, n) in splits:
            pltpu.make_async_copy(table.at[idx_v.at[b, pl.ds(o, n)]],
                                  rows_v.at[grp, pl.ds(o, n)],
                                  gsems[grp]).wait()

    def fire_s(b, grp):
        pltpu.async_copy(rows_v.at[grp],
                         out.at[base + b, pl.ds(0, seq), pl.ds(0, EMBED_DIM)],
                         osems[grp])

    def wait_s(b, grp):
        pltpu.make_async_copy(rows_v.at[grp],
                              out.at[base + b, pl.ds(0, seq), pl.ds(0, EMBED_DIM)],
                              osems[grp]).wait()

    def step(h, grp, fire=True):
        wait_s(h - 1, (grp + 2) % NGRP)
        if fire:
            fire_g(h + 2, (grp + 2) % NGRP)
        wait_g(h, grp)
        fire_s(h, grp)

    fire_g(0, 0)
    fire_g(1, 1)
    fire_g(2, 2)
    wait_g(0, 0)
    fire_s(0, 0)
    step(1, 1)
    step(2, 2)

    def outer(t, c):
        h0 = t * NGRP
        for dh in range(NGRP):
            step(h0 + dh, dh)
        return c

    t_end = (e_per_w - 2) // NGRP
    lax.fori_loop(1, t_end, outer, 0)
    for h in range(NGRP * t_end, e_per_w):
        step(h, h % NGRP, fire=(h + 2 < e_per_w))
    wait_s(e_per_w - 1, (e_per_w - 1) % NGRP)


def _make_emb(bs, seq):
    return functools.partial(
        pl.kernel,
        out_type=jax.ShapeDtypeStruct((bs, seq, PD), jnp.float32),
        mesh=plsc.VectorSubcoreMesh(core_axis_name="c", subcore_axis_name="s"),
        scratch_types=[
            pltpu.VMEM((bs // NW, seq), jnp.int32),
            pltpu.VMEM((NGRP, seq, EMBED_DIM), jnp.float32),
        ] + [pltpu.SemaphoreType.DMA] * (2 * NGRP),
        compiler_params=pltpu.CompilerParams(use_tc_tiling_on_sc=False),
    )(_emb_body)


def kernel(token_ids, weight):
    bs, seq = token_ids.shape
    padded = _make_emb(bs, seq)(weight, token_ids)
    return padded[:, :, :EMBED_DIM]

# --- scband reference (transcript-rebuilt; emitter-appended) ---
"""Pipeline reference for scband-embedding-72602127171991 (READ-ONLY COPY).

The authoritative reference and input builder live on the scoring server;
editing this copy changes nothing except your own understanding.
"""

import jax, jax.numpy as jnp
import numpy as np

NUM_EMBEDDINGS = 1000000
EMBEDDING_DIM = 64
BATCH = 4096
SEQ = 200


def setup_inputs(seed: int = 0) -> dict:
    key = jax.random.key(seed)
    k_idx, k_w = jax.random.split(key)
    token_ids = jax.random.randint(k_idx, (BATCH, SEQ), 0, NUM_EMBEDDINGS, dtype=jnp.int64 if jax.config.jax_enable_x64 else jnp.int32).astype(jnp.int32)
    # trunc_normal_(mean=0, std=1, a=-3, b=3) approximated via clipped normal
    weight = jnp.clip(jax.random.normal(k_w, (NUM_EMBEDDINGS, EMBEDDING_DIM), dtype=jnp.float32), -3.0, 3.0)
    return {"token_ids": token_ids, "weight": weight}


def reference(token_ids, weight):
    bs = token_ids.shape[0]
    flattened_token_ids = token_ids.reshape(-1)
    token_embeddings = jnp.take(weight, flattened_token_ids, axis=0)
    return token_embeddings.reshape(bs, -1, weight.shape[-1])

if __name__ == "__main__":
    import jax
    _d = setup_inputs()
    print(jax.jit(kernel)(*tuple(_d.values())))

</pallas_src>

<mosaic_0001>
#map = affine_map<(d0, d1) -> (0, 0)>
#map1 = affine_map<(d0, d1) -> (0, 0, 0)>
module attributes {stable_mosaic.version = 14 : i64} {
  func.func @_emb_body(%arg0: i32, %arg1: i32, %arg2: memref<1000000x64xf32, #tpu.memory_space<hbm>>, %arg3: memref<4096x200xi32, #tpu.memory_space<hbm>>, %arg4: memref<4096x200x128xf32, #tpu.memory_space<hbm>>, %arg5: memref<128x200xi32, #tpu.memory_space<vmem>>, %arg6: memref<3x200x64xf32, #tpu.memory_space<vmem>>, %arg7: memref<!tpu.dma_semaphore, #tpu.memory_space<semaphore_mem>>, %arg8: memref<!tpu.dma_semaphore, #tpu.memory_space<semaphore_mem>>, %arg9: memref<!tpu.dma_semaphore, #tpu.memory_space<semaphore_mem>>, %arg10: memref<!tpu.dma_semaphore, #tpu.memory_space<semaphore_mem>>, %arg11: memref<!tpu.dma_semaphore, #tpu.memory_space<semaphore_mem>>, %arg12: memref<!tpu.dma_semaphore, #tpu.memory_space<semaphore_mem>>) attributes {dimension_semantics = [#tpu.dimension_semantics<core_parallel>, #tpu.dimension_semantics<subcore_parallel>], iteration_bounds = array<i64: 2, 16>, scalar_prefetch = 0 : i64, scratch_operands = 8 : i64, tpu.core_type = #tpu.core_type<sc_vector_subcore>, window_params = [{transform_indices = #map}, {transform_indices = #map}, {transform_indices = #map1}]} {
    %mul3A = arith.constant 2 : i32
    %mul3A_0 = arith.muli %arg1, %mul3A : i32
    %add3A = arith.addi %mul3A_0, %arg0 : i32
    %mul3A_1 = arith.constant 128 : i32
    %mul3A_2 = arith.muli %add3A, %mul3A_1 : i32
    "tpu.region"() ({
      %run_scoped3A = tpu.sem_alloc : memref<!tpu.dma_semaphore, #tpu.memory_space<semaphore_mem>>
      %dma_start3A_436 = arith.constant 0 : i32
      %dma_start3A_437 = tpu.memref_slice %arg3[%mul3A_2, %dma_start3A_436] : memref<4096x200xi32, #tpu.memory_space<hbm>> -> memref<128x200xi32, #tpu.memory_space<hbm>>
      %dma_start3A_438 = arith.constant 0 : i32
      %dma_start3A_439 = tpu.memref_slice %arg3[%mul3A_2, %dma_start3A_438] : memref<4096x200xi32, #tpu.memory_space<hbm>> -> memref<128x200xi32, #tpu.memory_space<hbm>>
      tpu.enqueue_dma source(%dma_start3A_439 : memref<128x200xi32, #tpu.memory_space<hbm>>) target(%arg5 : memref<128x200xi32, #tpu.memory_space<vmem>>) target_semaphore(%run_scoped3A : memref<!tpu.dma_semaphore, #tpu.memory_space<semaphore_mem>>)
      %dma_wait3A_440 = arith.constant 0 : i32
      %dma_wait3A_441 = tpu.memref_slice %arg3[%mul3A_2, %dma_wait3A_440] : memref<4096x200xi32, #tpu.memory_space<hbm>> -> memref<128x200xi32, #tpu.memory_space<hbm>>
      %dma_wait3A_442 = arith.constant 0 : i32
      %dma_wait3A_443 = tpu.memref_slice %arg3[%mul3A_2, %dma_wait3A_442] : memref<4096x200xi32, #tpu.memory_space<hbm>> -> memref<128x200xi32, #tpu.memory_space<hbm>>
      tpu.wait_dma2 semaphore(%run_scoped3A : memref<!tpu.dma_semaphore, #tpu.memory_space<semaphore_mem>>) src(%dma_wait3A_443 : memref<128x200xi32, #tpu.memory_space<hbm>>) dst(%arg5 : memref<128x200xi32, #tpu.memory_space<vmem>>)
      tpu.yield
    }) : () -> ()
    %dma_start3A = arith.constant 0 : i32
    %dma_start3A_3 = arith.constant 0 : i32
    %dma_start3A_4 = arith.constant 0 : i32
    %dma_start3A_5 = arith.constant 0 : i32
    %dma_start3A_6 = tpu.memref_slice %arg6[%dma_start3A_3, %dma_start3A_4, %dma_start3A_5] : memref<3x200x64xf32, #tpu.memory_space<vmem>> -> memref<1x128x64xf32, #tpu.memory_space<vmem>>
    %dma_start3A_7 = tpu.memref_squeeze %dma_start3A_6 : memref<1x128x64xf32, #tpu.memory_space<vmem>> -> memref<128x64xf32, #tpu.memory_space<vmem>>
    %dma_start3A_8 = arith.constant 0 : i32
    %dma_start3A_9 = tpu.memref_slice %arg5[%dma_start3A, %dma_start3A_8] : memref<128x200xi32, #tpu.memory_space<vmem>> -> memref<1x128xi32, #tpu.memory_space<vmem>>
    %dma_start3A_10 = tpu.memref_squeeze %dma_start3A_9 : memref<1x128xi32, #tpu.memory_space<vmem>> -> memref<128xi32, #tpu.memory_space<vmem>>
    %dma_start3A_11 = arith.constant 0 : i32
    %dma_start3A_12 = arith.constant 0 : i32
    %dma_start3A_13 = tpu.memref_slice %arg2[%dma_start3A_11, %dma_start3A_12] : memref<1000000x64xf32, #tpu.memory_space<hbm>> -> memref<1000000x64xf32, #tpu.memory_space<hbm>>
    tpu.enqueue_indirect_dma source(%dma_start3A_13 : memref<1000000x64xf32, #tpu.memory_space<hbm>>) target(%dma_start3A_7 : memref<128x64xf32, #tpu.memory_space<vmem>>) offsets(%dma_start3A_10 : memref<128xi32, #tpu.memory_space<vmem>>) semaphore(%arg7 : memref<!tpu.dma_semaphore, #tpu.memory_space<semaphore_mem>>)
    %dma_start3A_14 = arith.constant 0 : i32
    %dma_start3A_15 = arith.constant 0 : i32
    %dma_start3A_16 = arith.constant 128 : i32
    %dma_start3A_17 = arith.constant 0 : i32
    %dma_start3A_18 = tpu.memref_slice %arg6[%dma_start3A_15, %dma_start3A_16, %dma_start3A_17] : memref<3x200x64xf32, #tpu.memory_space<vmem>> -> memref<1x72x64xf32, #tpu.memory_space<vmem>>
    %dma_start3A_19 = tpu.memref_squeeze %dma_start3A_18 : memref<1x72x64xf32, #tpu.memory_space<vmem>> -> memref<72x64xf32, #tpu.memory_space<vmem>>
    %dma_start3A_20 = arith.constant 128 : i32
    %dma_start3A_21 = tpu.memref_slice %arg5[%dma_start3A_14, %dma_start3A_20] : memref<128x200xi32, #tpu.memory_space<vmem>> -> memref<1x72xi32, #tpu.memory_space<vmem>>
    %dma_start3A_22 = tpu.memref_squeeze %dma_start3A_21 : memref<1x72xi32, #tpu.memory_space<vmem>> -> memref<72xi32, #tpu.memory_space<vmem>>
    %dma_start3A_23 = arith.constant 0 : i32
    %dma_start3A_24 = arith.constant 0 : i32
    %dma_start3A_25 = tpu.memref_slice %arg2[%dma_start3A_23, %dma_start3A_24] : memref<1000000x64xf32, #tpu.memory_space<hbm>> -> memref<1000000x64xf32, #tpu.memory_space<hbm>>
    tpu.enqueue_indirect_dma source(%dma_start3A_25 : memref<1000000x64xf32, #tpu.memory_space<hbm>>) target(%dma_start3A_19 : memref<72x64xf32, #tpu.memory_space<vmem>>) offsets(%dma_start3A_22 : memref<72xi32, #tpu.memory_space<vmem>>) semaphore(%arg7 : memref<!tpu.dma_semaphore, #tpu.memory_space<semaphore_mem>>)
    %dma_start3A_26 = arith.constant 1 : i32
    %dma_start3A_27 = arith.constant 1 : i32
    %dma_start3A_28 = arith.constant 0 : i32
    %dma_start3A_29 = arith.constant 0 : i32
    %dma_start3A_30 = tpu.memref_slice %arg6[%dma_start3A_27, %dma_start3A_28, %dma_start3A_29] : memref<3x200x64xf32, #tpu.memory_space<vmem>> -> memref<1x128x64xf32, #tpu.memory_space<vmem>>
    %dma_start3A_31 = tpu.memref_squeeze %dma_start3A_30 : memref<1x128x64xf32, #tpu.memory_space<vmem>> -> memref<128x64xf32, #tpu.memory_space<vmem>>
    %dma_start3A_32 = arith.constant 0 : i32
    %dma_start3A_33 = tpu.memref_slice %arg5[%dma_start3A_26, %dma_start3A_32] : memref<128x200xi32, #tpu.memory_space<vmem>> -> memref<1x128xi32, #tpu.memory_space<vmem>>
    %dma_start3A_34 = tpu.memref_squeeze %dma_start3A_33 : memref<1x128xi32, #tpu.memory_space<vmem>> -> memref<128xi32, #tpu.memory_space<vmem>>
    %dma_start3A_35 = arith.constant 0 : i32
    %dma_start3A_36 = arith.constant 0 : i32
    %dma_start3A_37 = tpu.memref_slice %arg2[%dma_start3A_35, %dma_start3A_36] : memref<1000000x64xf32, #tpu.memory_space<hbm>> -> memref<1000000x64xf32, #tpu.memory_space<hbm>>
    tpu.enqueue_indirect_dma source(%dma_start3A_37 : memref<1000000x64xf32, #tpu.memory_space<hbm>>) target(%dma_start3A_31 : memref<128x64xf32, #tpu.memory_space<vmem>>) offsets(%dma_start3A_34 : memref<128xi32, #tpu.memory_space<vmem>>) semaphore(%arg8 : memref<!tpu.dma_semaphore, #tpu.memory_space<semaphore_mem>>)
    %dma_start3A_38 = arith.constant 1 : i32
    %dma_start3A_39 = arith.constant 1 : i32
    %dma_start3A_40 = arith.constant 128 : i32
    %dma_start3A_41 = arith.constant 0 : i32
    %dma_start3A_42 = tpu.memref_slice %arg6[%dma_start3A_39, %dma_start3A_40, %dma_start3A_41] : memref<3x200x64xf32, #tpu.memory_space<vmem>> -> memref<1x72x64xf32, #tpu.memory_space<vmem>>
    %dma_start3A_43 = tpu.memref_squeeze %dma_start3A_42 : memref<1x72x64xf32, #tpu.memory_space<vmem>> -> memref<72x64xf32, #tpu.memory_space<vmem>>
    %dma_start3A_44 = arith.constant 128 : i32
    %dma_start3A_45 = tpu.memref_slice %arg5[%dma_start3A_38, %dma_start3A_44] : memref<128x200xi32, #tpu.memory_space<vmem>> -> memref<1x72xi32, #tpu.memory_space<vmem>>
    %dma_start3A_46 = tpu.memref_squeeze %dma_start3A_45 : memref<1x72xi32, #tpu.memory_space<vmem>> -> memref<72xi32, #tpu.memory_space<vmem>>
    %dma_start3A_47 = arith.constant 0 : i32
    %dma_start3A_48 = arith.constant 0 : i32
    %dma_start3A_49 = tpu.memref_slice %arg2[%dma_start3A_47, %dma_start3A_48] : memref<1000000x64xf32, #tpu.memory_space<hbm>> -> memref<1000000x64xf32, #tpu.memory_space<hbm>>
    tpu.enqueue_indirect_dma source(%dma_start3A_49 : memref<1000000x64xf32, #tpu.memory_space<hbm>>) target(%dma_start3A_43 : memref<72x64xf32, #tpu.memory_space<vmem>>) offsets(%dma_start3A_46 : memref<72xi32, #tpu.memory_space<vmem>>) semaphore(%arg8 : memref<!tpu.dma_semaphore, #tpu.memory_space<semaphore_mem>>)
    %dma_start3A_50 = arith.constant 2 : i32
    %dma_start3A_51 = arith.constant 2 : i32
    %dma_start3A_52 = arith.constant 0 : i32
    %dma_start3A_53 = arith.constant 0 : i32
    %dma_start3A_54 = tpu.memref_slice %arg6[%dma_start3A_51, %dma_start3A_52, %dma_start3A_53] : memref<3x200x64xf32, #tpu.memory_space<vmem>> -> memref<1x128x64xf32, #tpu.memory_space<vmem>>
    %dma_start3A_55 = tpu.memref_squeeze %dma_start3A_54 : memref<1x128x64xf32, #tpu.memory_space<vmem>> -> memref<128x64xf32, #tpu.memory_space<vmem>>
    %dma_start3A_56 = arith.constant 0 : i32
    %dma_start3A_57 = tpu.memref_slice %arg5[%dma_start3A_50, %dma_start3A_56] : memref<128x200xi32, #tpu.memory_space<vmem>> -> memref<1x128xi32, #tpu.memory_space<vmem>>
    %dma_start3A_58 = tpu.memref_squeeze %dma_start3A_57 : memref<1x128xi32, #tpu.memory_space<vmem>> -> memref<128xi32, #tpu.memory_space<vmem>>
    %dma_start3A_59 = arith.constant 0 : i32
    %dma_start3A_60 = arith.constant 0 : i32
    %dma_start3A_61 = tpu.memref_slice %arg2[%dma_start3A_59, %dma_start3A_60] : memref<1000000x64xf32, #tpu.memory_space<hbm>> -> memref<1000000x64xf32, #tpu.memory_space<hbm>>
    tpu.enqueue_indirect_dma source(%dma_start3A_61 : memref<1000000x64xf32, #tpu.memory_space<hbm>>) target(%dma_start3A_55 : memref<128x64xf32, #tpu.memory_space<vmem>>) offsets(%dma_start3A_58 : memref<128xi32, #tpu.memory_space<vmem>>) semaphore(%arg9 : memref<!tpu.dma_semaphore, #tpu.memory_space<semaphore_mem>>)
    %dma_start3A_62 = arith.constant 2 : i32
    %dma_start3A_63 = arith.constant 2 : i32
    %dma_start3A_64 = arith.constant 128 : i32
    %dma_start3A_65 = arith.constant 0 : i32
    %dma_start3A_66 = tpu.memref_slice %arg6[%dma_start3A_63, %dma_start3A_64, %dma_start3A_65] : memref<3x200x64xf32, #tpu.memory_space<vmem>> -> memref<1x72x64xf32, #tpu.memory_space<vmem>>
    %dma_start3A_67 = tpu.memref_squeeze %dma_start3A_66 : memref<1x72x64xf32, #tpu.memory_space<vmem>> -> memref<72x64xf32, #tpu.memory_space<vmem>>
    %dma_start3A_68 = arith.constant 128 : i32
    %dma_start3A_69 = tpu.memref_slice %arg5[%dma_start3A_62, %dma_start3A_68] : memref<128x200xi32, #tpu.memory_space<vmem>> -> memref<1x72xi32, #tpu.memory_space<vmem>>
    %dma_start3A_70 = tpu.memref_squeeze %dma_start3A_69 : memref<1x72xi32, #tpu.memory_space<vmem>> -> memref<72xi32, #tpu.memory_space<vmem>>
    %dma_start3A_71 = arith.constant 0 : i32
    %dma_start3A_72 = arith.constant 0 : i32
    %dma_start3A_73 = tpu.memref_slice %arg2[%dma_start3A_71, %dma_start3A_72] : memref<1000000x64xf32, #tpu.memory_space<hbm>> -> memref<1000000x64xf32, #tpu.memory_space<hbm>>
    tpu.enqueue_indirect_dma source(%dma_start3A_73 : memref<1000000x64xf32, #tpu.memory_space<hbm>>) target(%dma_start3A_67 : memref<72x64xf32, #tpu.memory_space<vmem>>) offsets(%dma_start3A_70 : memref<72xi32, #tpu.memory_space<vmem>>) semaphore(%arg9 : memref<!tpu.dma_semaphore, #tpu.memory_space<semaphore_mem>>)
    %dma_wait3A = arith.constant 0 : i32
    %dma_wait3A_74 = arith.constant 0 : i32
    %dma_wait3A_75 = arith.constant 0 : i32
    %dma_wait3A_76 = arith.constant 0 : i32
    %dma_wait3A_77 = tpu.memref_slice %arg6[%dma_wait3A_74, %dma_wait3A_75, %dma_wait3A_76] : memref<3x200x64xf32, #tpu.memory_space<vmem>> -> memref<1x128x64xf32, #tpu.memory_space<vmem>>
    %dma_wait3A_78 = tpu.memref_squeeze %dma_wait3A_77 : memref<1x128x64xf32, #tpu.memory_space<vmem>> -> memref<128x64xf32, #tpu.memory_space<vmem>>
    %dma_wait3A_79 = arith.constant 0 : i32
    %dma_wait3A_80 = tpu.memref_slice %arg5[%dma_wait3A, %dma_wait3A_79] : memref<128x200xi32, #tpu.memory_space<vmem>> -> memref<1x128xi32, #tpu.memory_space<vmem>>
    %dma_wait3A_81 = tpu.memref_squeeze %dma_wait3A_80 : memref<1x128xi32, #tpu.memory_space<vmem>> -> memref<128xi32, #tpu.memory_space<vmem>>
    %dma_wait3A_82 = arith.constant 0 : i32
    %dma_wait3A_83 = arith.constant 0 : i32
    %dma_wait3A_84 = tpu.memref_slice %arg2[%dma_wait3A_82, %dma_wait3A_83] : memref<1000000x64xf32, #tpu.memory_space<hbm>> -> memref<1000000x64xf32, #tpu.memory_space<hbm>>
    tpu.wait_indirect_dma semaphore(%arg7 : memref<!tpu.dma_semaphore, #tpu.memory_space<semaphore_mem>>) src(%dma_wait3A_84 : memref<1000000x64xf32, #tpu.memory_space<hbm>>) dst(%dma_wait3A_78 : memref<128x64xf32, #tpu.memory_space<vmem>>)
    %dma_wait3A_85 = arith.constant 0 : i32
    %dma_wait3A_86 = arith.constant 0 : i32
    %dma_wait3A_87 = arith.constant 128 : i32
    %dma_wait3A_88 = arith.constant 0 : i32
    %dma_wait3A_89 = tpu.memref_slice %arg6[%dma_wait3A_86, %dma_wait3A_87, %dma_wait3A_88] : memref<3x200x64xf32, #tpu.memory_space<vmem>> -> memref<1x72x64xf32, #tpu.memory_space<vmem>>
    %dma_wait3A_90 = tpu.memref_squeeze %dma_wait3A_89 : memref<1x72x64xf32, #tpu.memory_space<vmem>> -> memref<72x64xf32, #tpu.memory_space<vmem>>
    %dma_wait3A_91 = arith.constant 128 : i32
    %dma_wait3A_92 = tpu.memref_slice %arg5[%dma_wait3A_85, %dma_wait3A_91] : memref<128x200xi32, #tpu.memory_space<vmem>> -> memref<1x72xi32, #tpu.memory_space<vmem>>
    %dma_wait3A_93 = tpu.memref_squeeze %dma_wait3A_92 : memref<1x72xi32, #tpu.memory_space<vmem>> -> memref<72xi32, #tpu.memory_space<vmem>>
    %dma_wait3A_94 = arith.constant 0 : i32
    %dma_wait3A_95 = arith.constant 0 : i32
    %dma_wait3A_96 = tpu.memref_slice %arg2[%dma_wait3A_94, %dma_wait3A_95] : memref<1000000x64xf32, #tpu.memory_space<hbm>> -> memref<1000000x64xf32, #tpu.memory_space<hbm>>
    tpu.wait_indirect_dma semaphore(%arg7 : memref<!tpu.dma_semaphore, #tpu.memory_space<semaphore_mem>>) src(%dma_wait3A_96 : memref<1000000x64xf32, #tpu.memory_space<hbm>>) dst(%dma_wait3A_90 : memref<72x64xf32, #tpu.memory_space<vmem>>)
    %add3A_97 = arith.constant 0 : i32
    %add3A_98 = arith.addi %mul3A_2, %add3A_97 : i32
    %dma_start3A_99 = arith.constant 0 : i32
    %dma_start3A_100 = arith.constant 0 : i32
    %dma_start3A_101 = arith.constant 0 : i32
    %dma_start3A_102 = tpu.memref_slice %arg6[%dma_start3A_99, %dma_start3A_100, %dma_start3A_101] : memref<3x200x64xf32, #tpu.memory_space<vmem>> -> memref<1x200x64xf32, #tpu.memory_space<vmem>>
    %dma_start3A_103 = tpu.memref_squeeze %dma_start3A_102 : memref<1x200x64xf32, #tpu.memory_space<vmem>> -> memref<200x64xf32, #tpu.memory_space<vmem>>
    %dma_start3A_104 = arith.constant 0 : i32
    %dma_start3A_105 = arith.constant 0 : i32
    %dma_start3A_106 = tpu.memref_slice %arg4[%add3A_98, %dma_start3A_104, %dma_start3A_105] : memref<4096x200x128xf32, #tpu.memory_space<hbm>> -> memref<1x200x64xf32, #tpu.memory_space<hbm>>
    %dma_start3A_107 = tpu.memref_squeeze %dma_start3A_106 : memref<1x200x64xf32, #tpu.memory_space<hbm>> -> memref<200x64xf32, #tpu.memory_space<hbm>>
    %dma_start3A_108 = arith.constant 0 : i32
    %dma_start3A_109 = arith.constant 0 : i32
    %dma_start3A_110 = tpu.memref_slice %arg4[%add3A_98, %dma_start3A_108, %dma_start3A_109] : memref<4096x200x128xf32, #tpu.memory_space<hbm>> -> memref<1x200x64xf32, #tpu.memory_space<hbm>>
    %dma_start3A_111 = tpu.memref_squeeze %dma_start3A_110 : memref<1x200x64xf32, #tpu.memory_space<hbm>> -> memref<200x64xf32, #tpu.memory_space<hbm>>
    %dma_start3A_112 = arith.constant 0 : i32
    %dma_start3A_113 = arith.constant 0 : i32
    %dma_start3A_114 = tpu.memref_slice %arg6[%dma_start3A_99, %dma_start3A_112, %dma_start3A_113] : memref<3x200x64xf32, #tpu.memory_space<vmem>> -> memref<1x200x64xf32, #tpu.memory_space<vmem>>
    %dma_start3A_115 = tpu.memref_squeeze %dma_start3A_114 : memref<1x200x64xf32, #tpu.memory_space<vmem>> -> memref<200x64xf32, #tpu.memory_space<vmem>>
    tpu.enqueue_dma source(%dma_start3A_115 : memref<200x64xf32, #tpu.memory_space<vmem>>) target(%dma_start3A_111 : memref<200x64xf32, #tpu.memory_space<hbm>>) target_semaphore(%arg10 : memref<!tpu.dma_semaphore, #tpu.memory_space<semaphore_mem>>)
    %add3A_116 = arith.constant 0 : i32
    %add3A_117 = arith.addi %mul3A_2, %add3A_116 : i32
    %dma_wait3A_118 = arith.constant 0 : i32
    %dma_wait3A_119 = arith.constant 0 : i32
    %dma_wait3A_120 = arith.constant 0 : i32
    %dma_wait3A_121 = tpu.memref_slice %arg6[%dma_wait3A_118, %dma_wait3A_119, %dma_wait3A_120] : memref<3x200x64xf32, #tpu.memory_space<vmem>> -> memref<1x200x64xf32, #tpu.memory_space<vmem>>
    %dma_wait3A_122 = tpu.memref_squeeze %dma_wait3A_121 : memref<1x200x64xf32, #tpu.memory_space<vmem>> -> memref<200x64xf32, #tpu.memory_space<vmem>>
    %dma_wait3A_123 = arith.constant 0 : i32
    %dma_wait3A_124 = arith.constant 0 : i32
    %dma_wait3A_125 = tpu.memref_slice %arg4[%add3A_117, %dma_wait3A_123, %dma_wait3A_124] : memref<4096x200x128xf32, #tpu.memory_space<hbm>> -> memref<1x200x64xf32, #tpu.memory_space<hbm>>
    %dma_wait3A_126 = tpu.memref_squeeze %dma_wait3A_125 : memref<1x200x64xf32, #tpu.memory_space<hbm>> -> memref<200x64xf32, #tpu.memory_space<hbm>>
    %dma_wait3A_127 = arith.constant 0 : i32
    %dma_wait3A_128 = arith.constant 0 : i32
    %dma_wait3A_129 = tpu.memref_slice %arg4[%add3A_117, %dma_wait3A_127, %dma_wait3A_128] : memref<4096x200x128xf32, #tpu.memory_space<hbm>> -> memref<1x200x64xf32, #tpu.memory_space<hbm>>
    %dma_wait3A_130 = tpu.memref_squeeze %dma_wait3A_129 : memref<1x200x64xf32, #tpu.memory_space<hbm>> -> memref<200x64xf32, #tpu.memory_space<hbm>>
    %dma_wait3A_131 = arith.constant 0 : i32
    %dma_wait3A_132 = arith.constant 0 : i32
    %dma_wait3A_133 = tpu.memref_slice %arg6[%dma_wait3A_118, %dma_wait3A_131, %dma_wait3A_132] : memref<3x200x64xf32, #tpu.memory_space<vmem>> -> memref<1x200x64xf32, #tpu.memory_space<vmem>>
    %dma_wait3A_134 = tpu.memref_squeeze %dma_wait3A_133 : memref<1x200x64xf32, #tpu.memory_space<vmem>> -> memref<200x64xf32, #tpu.memory_space<vmem>>
    tpu.wait_dma2 semaphore(%arg10 : memref<!tpu.dma_semaphore, #tpu.memory_space<semaphore_mem>>) src(%dma_wait3A_134 : memref<200x64xf32, #tpu.memory_space<vmem>>) dst(%dma_wait3A_130 : memref<200x64xf32, #tpu.memory_space<hbm>>)
    %dma_start3A_135 = arith.constant 3 : i32
    %dma_start3A_136 = arith.constant 0 : i32
    %dma_start3A_137 = arith.constant 0 : i32
    %dma_start3A_138 = arith.constant 0 : i32
    %dma_start3A_139 = tpu.memref_slice %arg6[%dma_start3A_136, %dma_start3A_137, %dma_start3A_138] : memref<3x200x64xf32, #tpu.memory_space<vmem>> -> memref<1x128x64xf32, #tpu.memory_space<vmem>>
    %dma_start3A_140 = tpu.memref_squeeze %dma_start3A_139 : memref<1x128x64xf32, #tpu.memory_space<vmem>> -> memref<128x64xf32, #tpu.memory_space<vmem>>
    %dma_start3A_141 = arith.constant 0 : i32
    %dma_start3A_142 = tpu.memref_slice %arg5[%dma_start3A_135, %dma_start3A_141] : memref<128x200xi32, #tpu.memory_space<vmem>> -> memref<1x128xi32, #tpu.memory_space<vmem>>
    %dma_start3A_143 = tpu.memref_squeeze %dma_start3A_142 : memref<1x128xi32, #tpu.memory_space<vmem>> -> memref<128xi32, #tpu.memory_space<vmem>>
    %dma_start3A_144 = arith.constant 0 : i32
    %dma_start3A_145 = arith.constant 0 : i32
    %dma_start3A_146 = tpu.memref_slice %arg2[%dma_start3A_144, %dma_start3A_145] : memref<1000000x64xf32, #tpu.memory_space<hbm>> -> memref<1000000x64xf32, #tpu.memory_space<hbm>>
    tpu.enqueue_indirect_dma source(%dma_start3A_146 : memref<1000000x64xf32, #tpu.memory_space<hbm>>) target(%dma_start3A_140 : memref<128x64xf32, #tpu.memory_space<vmem>>) offsets(%dma_start3A_143 : memref<128xi32, #tpu.memory_space<vmem>>) semaphore(%arg7 : memref<!tpu.dma_semaphore, #tpu.memory_space<semaphore_mem>>)
    %dma_start3A_147 = arith.constant 3 : i32
    %dma_start3A_148 = arith.constant 0 : i32
    %dma_start3A_149 = arith.constant 128 : i32
    %dma_start3A_150 = arith.constant 0 : i32
    %dma_start3A_151 = tpu.memref_slice %arg6[%dma_start3A_148, %dma_start3A_149, %dma_start3A_150] : memref<3x200x64xf32, #tpu.memory_space<vmem>> -> memref<1x72x64xf32, #tpu.memory_space<vmem>>
    %dma_start3A_152 = tpu.memref_squeeze %dma_start3A_151 : memref<1x72x64xf32, #tpu.memory_space<vmem>> -> memref<72x64xf32, #tpu.memory_space<vmem>>
    %dma_start3A_153 = arith.constant 128 : i32
    %dma_start3A_154 = tpu.memref_slice %arg5[%dma_start3A_147, %dma_start3A_153] : memref<128x200xi32, #tpu.memory_space<vmem>> -> memref<1x72xi32, #tpu.memory_space<vmem>>
    %dma_start3A_155 = tpu.memref_squeeze %dma_start3A_154 : memref<1x72xi32, #tpu.memory_space<vmem>> -> memref<72xi32, #tpu.memory_space<vmem>>
    %dma_start3A_156 = arith.constant 0 : i32
    %dma_start3A_157 = arith.constant 0 : i32
    %dma_start3A_158 = tpu.memref_slice %arg2[%dma_start3A_156, %dma_start3A_157] : memref<1000000x64xf32, #tpu.memory_space<hbm>> -> memref<1000000x64xf32, #tpu.memory_space<hbm>>
    tpu.enqueue_indirect_dma source(%dma_start3A_158 : memref<1000000x64xf32, #tpu.memory_space<hbm>>) target(%dma_start3A_152 : memref<72x64xf32, #tpu.memory_space<vmem>>) offsets(%dma_start3A_155 : memref<72xi32, #tpu.memory_space<vmem>>) semaphore(%arg7 : memref<!tpu.dma_semaphore, #tpu.memory_space<semaphore_mem>>)
    %dma_wait3A_159 = arith.constant 1 : i32
    %dma_wait3A_160 = arith.constant 1 : i32
    %dma_wait3A_161 = arith.constant 0 : i32
    %dma_wait3A_162 = arith.constant 0 : i32
    %dma_wait3A_163 = tpu.memref_slice %arg6[%dma_wait3A_160, %dma_wait3A_161, %dma_wait3A_162] : memref<3x200x64xf32, #tpu.memory_space<vmem>> -> memref<1x128x64xf32, #tpu.memory_space<vmem>>
    %dma_wait3A_164 = tpu.memref_squeeze %dma_wait3A_163 : memref<1x128x64xf32, #tpu.memory_space<vmem>> -> memref<128x64xf32, #tpu.memory_space<vmem>>
    %dma_wait3A_165 = arith.constant 0 : i32
    %dma_wait3A_166 = tpu.memref_slice %arg5[%dma_wait3A_159, %dma_wait3A_165] : memref<128x200xi32, #tpu.memory_space<vmem>> -> memref<1x128xi32, #tpu.memory_space<vmem>>
    %dma_wait3A_167 = tpu.memref_squeeze %dma_wait3A_166 : memref<1x128xi32, #tpu.memory_space<vmem>> -> memref<128xi32, #tpu.memory_space<vmem>>
    %dma_wait3A_168 = arith.constant 0 : i32
    %dma_wait3A_169 = arith.constant 0 : i32
    %dma_wait3A_170 = tpu.memref_slice %arg2[%dma_wait3A_168, %dma_wait3A_169] : memref<1000000x64xf32, #tpu.memory_space<hbm>> -> memref<1000000x64xf32, #tpu.memory_space<hbm>>
    tpu.wait_indirect_dma semaphore(%arg8 : memref<!tpu.dma_semaphore, #tpu.memory_space<semaphore_mem>>) src(%dma_wait3A_170 : memref<1000000x64xf32, #tpu.memory_space<hbm>>) dst(%dma_wait3A_164 : memref<128x64xf32, #tpu.memory_space<vmem>>)
    %dma_wait3A_171 = arith.constant 1 : i32
    %dma_wait3A_172 = arith.constant 1 : i32
    %dma_wait3A_173 = arith.constant 128 : i32
    %dma_wait3A_174 = arith.constant 0 : i32
    %dma_wait3A_175 = tpu.memref_slice %arg6[%dma_wait3A_172, %dma_wait3A_173, %dma_wait3A_174] : memref<3x200x64xf32, #tpu.memory_space<vmem>> -> memref<1x72x64xf32, #tpu.memory_space<vmem>>
    %dma_wait3A_176 = tpu.memref_squeeze %dma_wait3A_175 : memref<1x72x64xf32, #tpu.memory_space<vmem>> -> memref<72x64xf32, #tpu.memory_space<vmem>>
    %dma_wait3A_177 = arith.constant 128 : i32
    %dma_wait3A_178 = tpu.memref_slice %arg5[%dma_wait3A_171, %dma_wait3A_177] : memref<128x200xi32, #tpu.memory_space<vmem>> -> memref<1x72xi32, #tpu.memory_space<vmem>>
    %dma_wait3A_179 = tpu.memref_squeeze %dma_wait3A_178 : memref<1x72xi32, #tpu.memory_space<vmem>> -> memref<72xi32, #tpu.memory_space<vmem>>
    %dma_wait3A_180 = arith.constant 0 : i32
    %dma_wait3A_181 = arith.constant 0 : i32
    %dma_wait3A_182 = tpu.memref_slice %arg2[%dma_wait3A_180, %dma_wait3A_181] : memref<1000000x64xf32, #tpu.memory_space<hbm>> -> memref<1000000x64xf32, #tpu.memory_space<hbm>>
    tpu.wait_indirect_dma semaphore(%arg8 : memref<!tpu.dma_semaphore, #tpu.memory_space<semaphore_mem>>) src(%dma_wait3A_182 : memref<1000000x64xf32, #tpu.memory_space<hbm>>) dst(%dma_wait3A_176 : memref<72x64xf32, #tpu.memory_space<vmem>>)
    %add3A_183 = arith.constant 1 : i32
    %add3A_184 = arith.addi %mul3A_2, %add3A_183 : i32
    %dma_start3A_185 = arith.constant 1 : i32
    %dma_start3A_186 = arith.constant 0 : i32
    %dma_start3A_187 = arith.constant 0 : i32
    %dma_start3A_188 = tpu.memref_slice %arg6[%dma_start3A_185, %dma_start3A_186, %dma_start3A_187] : memref<3x200x64xf32, #tpu.memory_space<vmem>> -> memref<1x200x64xf32, #tpu.memory_space<vmem>>
    %dma_start3A_189 = tpu.memref_squeeze %dma_start3A_188 : memref<1x200x64xf32, #tpu.memory_space<vmem>> -> memref<200x64xf32, #tpu.memory_space<vmem>>
    %dma_start3A_190 = arith.constant 0 : i32
    %dma_start3A_191 = arith.constant 0 : i32
    %dma_start3A_192 = tpu.memref_slice %arg4[%add3A_184, %dma_start3A_190, %dma_start3A_191] : memref<4096x200x128xf32, #tpu.memory_space<hbm>> -> memref<1x200x64xf32, #tpu.memory_space<hbm>>
    %dma_start3A_193 = tpu.memref_squeeze %dma_start3A_192 : memref<1x200x64xf32, #tpu.memory_space<hbm>> -> memref<200x64xf32, #tpu.memory_space<hbm>>
    %dma_start3A_194 = arith.constant 0 : i32
    %dma_start3A_195 = arith.constant 0 : i32
    %dma_start3A_196 = tpu.memref_slice %arg4[%add3A_184, %dma_start3A_194, %dma_start3A_195] : memref<4096x200x128xf32, #tpu.memory_space<hbm>> -> memref<1x200x64xf32, #tpu.memory_space<hbm>>
    %dma_start3A_197 = tpu.memref_squeeze %dma_start3A_196 : memref<1x200x64xf32, #tpu.memory_space<hbm>> -> memref<200x64xf32, #tpu.memory_space<hbm>>
    %dma_start3A_198 = arith.constant 0 : i32
    %dma_start3A_199 = arith.constant 0 : i32
    %dma_start3A_200 = tpu.memref_slice %arg6[%dma_start3A_185, %dma_start3A_198, %dma_start3A_199] : memref<3x200x64xf32, #tpu.memory_space<vmem>> -> memref<1x200x64xf32, #tpu.memory_space<vmem>>
    %dma_start3A_201 = tpu.memref_squeeze %dma_start3A_200 : memref<1x200x64xf32, #tpu.memory_space<vmem>> -> memref<200x64xf32, #tpu.memory_space<vmem>>
    tpu.enqueue_dma source(%dma_start3A_201 : memref<200x64xf32, #tpu.memory_space<vmem>>) target(%dma_start3A_197 : memref<200x64xf32, #tpu.memory_space<hbm>>) target_semaphore(%arg11 : memref<!tpu.dma_semaphore, #tpu.memory_space<semaphore_mem>>)
    %add3A_202 = arith.constant 1 : i32
    %add3A_203 = arith.addi %mul3A_2, %add3A_202 : i32
    %dma_wait3A_204 = arith.constant 1 : i32
    %dma_wait3A_205 = arith.constant 0 : i32
    %dma_wait3A_206 = arith.constant 0 : i32
    %dma_wait3A_207 = tpu.memref_slice %arg6[%dma_wait3A_204, %dma_wait3A_205, %dma_wait3A_206] : memref<3x200x64xf32, #tpu.memory_space<vmem>> -> memref<1x200x64xf32, #tpu.memory_space<vmem>>
    %dma_wait3A_208 = tpu.memref_squeeze %dma_wait3A_207 : memref<1x200x64xf32, #tpu.memory_space<vmem>> -> memref<200x64xf32, #tpu.memory_space<vmem>>
    %dma_wait3A_209 = arith.constant 0 : i32
    %dma_wait3A_210 = arith.constant 0 : i32
    %dma_wait3A_211 = tpu.memref_slice %arg4[%add3A_203, %dma_wait3A_209, %dma_wait3A_210] : memref<4096x200x128xf32, #tpu.memory_space<hbm>> -> memref<1x200x64xf32, #tpu.memory_space<hbm>>
    %dma_wait3A_212 = tpu.memref_squeeze %dma_wait3A_211 : memref<1x200x64xf32, #tpu.memory_space<hbm>> -> memref<200x64xf32, #tpu.memory_space<hbm>>
    %dma_wait3A_213 = arith.constant 0 : i32
    %dma_wait3A_214 = arith.constant 0 : i32
    %dma_wait3A_215 = tpu.memref_slice %arg4[%add3A_203, %dma_wait3A_213, %dma_wait3A_214] : memref<4096x200x128xf32, #tpu.memory_space<hbm>> -> memref<1x200x64xf32, #tpu.memory_space<hbm>>
    %dma_wait3A_216 = tpu.memref_squeeze %dma_wait3A_215 : memref<1x200x64xf32, #tpu.memory_space<hbm>> -> memref<200x64xf32, #tpu.memory_space<hbm>>
    %dma_wait3A_217 = arith.constant 0 : i32
    %dma_wait3A_218 = arith.constant 0 : i32
    %dma_wait3A_219 = tpu.memref_slice %arg6[%dma_wait3A_204, %dma_wait3A_217, %dma_wait3A_218] : memref<3x200x64xf32, #tpu.memory_space<vmem>> -> memref<1x200x64xf32, #tpu.memory_space<vmem>>
    %dma_wait3A_220 = tpu.memref_squeeze %dma_wait3A_219 : memref<1x200x64xf32, #tpu.memory_space<vmem>> -> memref<200x64xf32, #tpu.memory_space<vmem>>
    tpu.wait_dma2 semaphore(%arg11 : memref<!tpu.dma_semaphore, #tpu.memory_space<semaphore_mem>>) src(%dma_wait3A_220 : memref<200x64xf32, #tpu.memory_space<vmem>>) dst(%dma_wait3A_216 : memref<200x64xf32, #tpu.memory_space<hbm>>)
    %dma_start3A_221 = arith.constant 4 : i32
    %dma_start3A_222 = arith.constant 1 : i32
    %dma_start3A_223 = arith.constant 0 : i32
    %dma_start3A_224 = arith.constant 0 : i32
    %dma_start3A_225 = tpu.memref_slice %arg6[%dma_start3A_222, %dma_start3A_223, %dma_start3A_224] : memref<3x200x64xf32, #tpu.memory_space<vmem>> -> memref<1x128x64xf32, #tpu.memory_space<vmem>>
    %dma_start3A_226 = tpu.memref_squeeze %dma_start3A_225 : memref<1x128x64xf32, #tpu.memory_space<vmem>> -> memref<128x64xf32, #tpu.memory_space<vmem>>
    %dma_start3A_227 = arith.constant 0 : i32
    %dma_start3A_228 = tpu.memref_slice %arg5[%dma_start3A_221, %dma_start3A_227] : memref<128x200xi32, #tpu.memory_space<vmem>> -> memref<1x128xi32, #tpu.memory_space<vmem>>
    %dma_start3A_229 = tpu.memref_squeeze %dma_start3A_228 : memref<1x128xi32, #tpu.memory_space<vmem>> -> memref<128xi32, #tpu.memory_space<vmem>>
    %dma_start3A_230 = arith.constant 0 : i32
    %dma_start3A_231 = arith.constant 0 : i32
    %dma_start3A_232 = tpu.memref_slice %arg2[%dma_start3A_230, %dma_start3A_231] : memref<1000000x64xf32, #tpu.memory_space<hbm>> -> memref<1000000x64xf32, #tpu.memory_space<hbm>>
    tpu.enqueue_indirect_dma source(%dma_start3A_232 : memref<1000000x64xf32, #tpu.memory_space<hbm>>) target(%dma_start3A_226 : memref<128x64xf32, #tpu.memory_space<vmem>>) offsets(%dma_start3A_229 : memref<128xi32, #tpu.memory_space<vmem>>) semaphore(%arg8 : memref<!tpu.dma_semaphore, #tpu.memory_space<semaphore_mem>>)
    %dma_start3A_233 = arith.constant 4 : i32
    %dma_start3A_234 = arith.constant 1 : i32
    %dma_start3A_235 = arith.constant 128 : i32
    %dma_start3A_236 = arith.constant 0 : i32
    %dma_start3A_237 = tpu.memref_slice %arg6[%dma_start3A_234, %dma_start3A_235, %dma_start3A_236] : memref<3x200x64xf32, #tpu.memory_space<vmem>> -> memref<1x72x64xf32, #tpu.memory_space<vmem>>
    %dma_start3A_238 = tpu.memref_squeeze %dma_start3A_237 : memref<1x72x64xf32, #tpu.memory_space<vmem>> -> memref<72x64xf32, #tpu.memory_space<vmem>>
    %dma_start3A_239 = arith.constant 128 : i32
    %dma_start3A_240 = tpu.memref_slice %arg5[%dma_start3A_233, %dma_start3A_239] : memref<128x200xi32, #tpu.memory_space<vmem>> -> memref<1x72xi32, #tpu.memory_space<vmem>>
    %dma_start3A_241 = tpu.memref_squeeze %dma_start3A_240 : memref<1x72xi32, #tpu.memory_space<vmem>> -> memref<72xi32, #tpu.memory_space<vmem>>
    %dma_start3A_242 = arith.constant 0 : i32
    %dma_start3A_243 = arith.constant 0 : i32
    %dma_start3A_244 = tpu.memref_slice %arg2[%dma_start3A_242, %dma_start3A_243] : memref<1000000x64xf32, #tpu.memory_space<hbm>> -> memref<1000000x64xf32, #tpu.memory_space<hbm>>
    tpu.enqueue_indirect_dma source(%dma_start3A_244 : memref<1000000x64xf32, #tpu.memory_space<hbm>>) target(%dma_start3A_238 : memref<72x64xf32, #tpu.memory_space<vmem>>) offsets(%dma_start3A_241 : memref<72xi32, #tpu.memory_space<vmem>>) semaphore(%arg8 : memref<!tpu.dma_semaphore, #tpu.memory_space<semaphore_mem>>)
    %dma_wait3A_245 = arith.constant 2 : i32
    %dma_wait3A_246 = arith.constant 2 : i32
    %dma_wait3A_247 = arith.constant 0 : i32
    %dma_wait3A_248 = arith.constant 0 : i32
    %dma_wait3A_249 = tpu.memref_slice %arg6[%dma_wait3A_246, %dma_wait3A_247, %dma_wait3A_248] : memref<3x200x64xf32, #tpu.memory_space<vmem>> -> memref<1x128x64xf32, #tpu.memory_space<vmem>>
    %dma_wait3A_250 = tpu.memref_squeeze %dma_wait3A_249 : memref<1x128x64xf32, #tpu.memory_space<vmem>> -> memref<128x64xf32, #tpu.memory_space<vmem>>
    %dma_wait3A_251 = arith.constant 0 : i32
    %dma_wait3A_252 = tpu.memref_slice %arg5[%dma_wait3A_245, %dma_wait3A_251] : memref<128x200xi32, #tpu.memory_space<vmem>> -> memref<1x128xi32, #tpu.memory_space<vmem>>
    %dma_wait3A_253 = tpu.memref_squeeze %dma_wait3A_252 : memref<1x128xi32, #tpu.memory_space<vmem>> -> memref<128xi32, #tpu.memory_space<vmem>>
    %dma_wait3A_254 = arith.constant 0 : i32
    %dma_wait3A_255 = arith.constant 0 : i32
    %dma_wait3A_256 = tpu.memref_slice %arg2[%dma_wait3A_254, %dma_wait3A_255] : memref<1000000x64xf32, #tpu.memory_space<hbm>> -> memref<1000000x64xf32, #tpu.memory_space<hbm>>
    tpu.wait_indirect_dma semaphore(%arg9 : memref<!tpu.dma_semaphore, #tpu.memory_space<semaphore_mem>>) src(%dma_wait3A_256 : memref<1000000x64xf32, #tpu.memory_space<hbm>>) dst(%dma_wait3A_250 : memref<128x64xf32, #tpu.memory_space<vmem>>)
    %dma_wait3A_257 = arith.constant 2 : i32
    %dma_wait3A_258 = arith.constant 2 : i32
    %dma_wait3A_259 = arith.constant 128 : i32
    %dma_wait3A_260 = arith.constant 0 : i32
    %dma_wait3A_261 = tpu.memref_slice %arg6[%dma_wait3A_258, %dma_wait3A_259, %dma_wait3A_260] : memref<3x200x64xf32, #tpu.memory_space<vmem>> -> memref<1x72x64xf32, #tpu.memory_space<vmem>>
    %dma_wait3A_262 = tpu.memref_squeeze %dma_wait3A_261 : memref<1x72x64xf32, #tpu.memory_space<vmem>> -> memref<72x64xf32, #tpu.memory_space<vmem>>
    %dma_wait3A_263 = arith.constant 128 : i32
    %dma_wait3A_264 = tpu.memref_slice %arg5[%dma_wait3A_257, %dma_wait3A_263] : memref<128x200xi32, #tpu.memory_space<vmem>> -> memref<1x72xi32, #tpu.memory_space<vmem>>
    %dma_wait3A_265 = tpu.memref_squeeze %dma_wait3A_264 : memref<1x72xi32, #tpu.memory_space<vmem>> -> memref<72xi32, #tpu.memory_space<vmem>>
    %dma_wait3A_266 = arith.constant 0 : i32
    %dma_wait3A_267 = arith.constant 0 : i32
    %dma_wait3A_268 = tpu.memref_slice %arg2[%dma_wait3A_266, %dma_wait3A_267] : memref<1000000x64xf32, #tpu.memory_space<hbm>> -> memref<1000000x64xf32, #tpu.memory_space<hbm>>
    tpu.wait_indirect_dma semaphore(%arg9 : memref<!tpu.dma_semaphore, #tpu.memory_space<semaphore_mem>>) src(%dma_wait3A_268 : memref<1000000x64xf32, #tpu.memory_space<hbm>>) dst(%dma_wait3A_262 : memref<72x64xf32, #tpu.memory_space<vmem>>)
    %add3A_269 = arith.constant 2 : i32
    %add3A_270 = arith.addi %mul3A_2, %add3A_269 : i32
    %dma_start3A_271 = arith.constant 2 : i32
    %dma_start3A_272 = arith.constant 0 : i32
    %dma_start3A_273 = arith.constant 0 : i32
    %dma_start3A_274 = tpu.memref_slice %arg6[%dma_start3A_271, %dma_start3A_272, %dma_start3A_273] : memref<3x200x64xf32, #tpu.memory_space<vmem>> -> memref<1x200x64xf32, #tpu.memory_space<vmem>>
    %dma_start3A_275 = tpu.memref_squeeze %dma_start3A_274 : memref<1x200x64xf32, #tpu.memory_space<vmem>> -> memref<200x64xf32, #tpu.memory_space<vmem>>
    %dma_start3A_276 = arith.constant 0 : i32
    %dma_start3A_277 = arith.constant 0 : i32
    %dma_start3A_278 = tpu.memref_slice %arg4[%add3A_270, %dma_start3A_276, %dma_start3A_277] : memref<4096x200x128xf32, #tpu.memory_space<hbm>> -> memref<1x200x64xf32, #tpu.memory_space<hbm>>
    %dma_start3A_279 = tpu.memref_squeeze %dma_start3A_278 : memref<1x200x64xf32, #tpu.memory_space<hbm>> -> memref<200x64xf32, #tpu.memory_space<hbm>>
    %dma_start3A_280 = arith.constant 0 : i32
    %dma_start3A_281 = arith.constant 0 : i32
    %dma_start3A_282 = tpu.memref_slice %arg4[%add3A_270, %dma_start3A_280, %dma_start3A_281] : memref<4096x200x128xf32, #tpu.memory_space<hbm>> -> memref<1x200x64xf32, #tpu.memory_space<hbm>>
    %dma_start3A_283 = tpu.memref_squeeze %dma_start3A_282 : memref<1x200x64xf32, #tpu.memory_space<hbm>> -> memref<200x64xf32, #tpu.memory_space<hbm>>
    %dma_start3A_284 = arith.constant 0 : i32
    %dma_start3A_285 = arith.constant 0 : i32
    %dma_start3A_286 = tpu.memref_slice %arg6[%dma_start3A_271, %dma_start3A_284, %dma_start3A_285] : memref<3x200x64xf32, #tpu.memory_space<vmem>> -> memref<1x200x64xf32, #tpu.memory_space<vmem>>
    %dma_start3A_287 = tpu.memref_squeeze %dma_start3A_286 : memref<1x200x64xf32, #tpu.memory_space<vmem>> -> memref<200x64xf32, #tpu.memory_space<vmem>>
    tpu.enqueue_dma source(%dma_start3A_287 : memref<200x64xf32, #tpu.memory_space<vmem>>) target(%dma_start3A_283 : memref<200x64xf32, #tpu.memory_space<hbm>>) target_semaphore(%arg12 : memref<!tpu.dma_semaphore, #tpu.memory_space<semaphore_mem>>)
    %scan3A = arith.constant 0 : i32
    %scan3A_288 = arith.constant 1 : i32
    %scan3A_289 = arith.constant 41 : i32
    %scan3A_290 = arith.addi %scan3A_288, %scan3A_289 : i32
    %scan3A_291 = arith.constant 1 : i32
    scf.for %scan3A_436 = %scan3A_288 to %scan3A_290 step %scan3A_291  : i32 {
      %mul3A_437 = arith.constant 3 : i32
      %mul3A_438 = arith.muli %scan3A_436, %mul3A_437 : i32
      %add3A_439 = arith.constant 0 : i32
      %add3A_440 = arith.addi %mul3A_438, %add3A_439 : i32
      %sub3A = arith.constant 1 : i32
      %sub3A_441 = arith.subi %add3A_440, %sub3A : i32
      %add3A_442 = arith.addi %mul3A_2, %sub3A_441 : i32
      %dma_wait3A_443 = arith.constant 2 : i32
      %dma_wait3A_444 = arith.constant 0 : i32
      %dma_wait3A_445 = arith.constant 0 : i32
      %dma_wait3A_446 = tpu.memref_slice %arg6[%dma_wait3A_443, %dma_wait3A_444, %dma_wait3A_445] : memref<3x200x64xf32, #tpu.memory_space<vmem>> -> memref<1x200x64xf32, #tpu.memory_space<vmem>>
      %dma_wait3A_447 = tpu.memref_squeeze %dma_wait3A_446 : memref<1x200x64xf32, #tpu.memory_space<vmem>> -> memref<200x64xf32, #tpu.memory_space<vmem>>
      %dma_wait3A_448 = arith.constant 0 : i32
      %dma_wait3A_449 = arith.constant 0 : i32
      %dma_wait3A_450 = tpu.memref_slice %arg4[%add3A_442, %dma_wait3A_448, %dma_wait3A_449] : memref<4096x200x128xf32, #tpu.memory_space<hbm>> -> memref<1x200x64xf32, #tpu.memory_space<hbm>>
      %dma_wait3A_451 = tpu.memref_squeeze %dma_wait3A_450 : memref<1x200x64xf32, #tpu.memory_space<hbm>> -> memref<200x64xf32, #tpu.memory_space<hbm>>
      %dma_wait3A_452 = arith.constant 0 : i32
      %dma_wait3A_453 = arith.constant 0 : i32
      %dma_wait3A_454 = tpu.memref_slice %arg4[%add3A_442, %dma_wait3A_452, %dma_wait3A_453] : memref<4096x200x128xf32, #tpu.memory_space<hbm>> -> memref<1x200x64xf32, #tpu.memory_space<hbm>>
      %dma_wait3A_455 = tpu.memref_squeeze %dma_wait3A_454 : memref<1x200x64xf32, #tpu.memory_space<hbm>> -> memref<200x64xf32, #tpu.memory_space<hbm>>
      %dma_wait3A_456 = arith.constant 0 : i32
      %dma_wait3A_457 = arith.constant 0 : i32
      %dma_wait3A_458 = tpu.memref_slice %arg6[%dma_wait3A_443, %dma_wait3A_456, %dma_wait3A_457] : memref<3x200x64xf32, #tpu.memory_space<vmem>> -> memref<1x200x64xf32, #tpu.memory_space<vmem>>
      %dma_wait3A_459 = tpu.memref_squeeze %dma_wait3A_458 : memref<1x200x64xf32, #tpu.memory_space<vmem>> -> memref<200x64xf32, #tpu.memory_space<vmem>>
      tpu.wait_dma2 semaphore(%arg12 : memref<!tpu.dma_semaphore, #tpu.memory_space<semaphore_mem>>) src(%dma_wait3A_459 : memref<200x64xf32, #tpu.memory_space<vmem>>) dst(%dma_wait3A_455 : memref<200x64xf32, #tpu.memory_space<hbm>>)
      %add3A_460 = arith.constant 2 : i32
      %add3A_461 = arith.addi %add3A_440, %add3A_460 : i32
      %dma_start3A_462 = arith.constant 2 : i32
      %dma_start3A_463 = arith.constant 0 : i32
      %dma_start3A_464 = arith.constant 0 : i32
      %dma_start3A_465 = tpu.memref_slice %arg6[%dma_start3A_462, %dma_start3A_463, %dma_start3A_464] : memref<3x200x64xf32, #tpu.memory_space<vmem>> -> memref<1x128x64xf32, #tpu.memory_space<vmem>>
      %dma_start3A_466 = tpu.memref_squeeze %dma_start3A_465 : memref<1x128x64xf32, #tpu.memory_space<vmem>> -> memref<128x64xf32, #tpu.memory_space<vmem>>
      %dma_start3A_467 = arith.constant 0 : i32
      %dma_start3A_468 = tpu.memref_slice %arg5[%add3A_461, %dma_start3A_467] : memref<128x200xi32, #tpu.memory_space<vmem>> -> memref<1x128xi32, #tpu.memory_space<vmem>>
      %dma_start3A_469 = tpu.memref_squeeze %dma_start3A_468 : memref<1x128xi32, #tpu.memory_space<vmem>> -> memref<128xi32, #tpu.memory_space<vmem>>
      %dma_start3A_470 = arith.constant 0 : i32
      %dma_start3A_471 = arith.constant 0 : i32
      %dma_start3A_472 = tpu.memref_slice %arg2[%dma_start3A_470, %dma_start3A_471] : memref<1000000x64xf32, #tpu.memory_space<hbm>> -> memref<1000000x64xf32, #tpu.memory_space<hbm>>
      tpu.enqueue_indirect_dma source(%dma_start3A_472 : memref<1000000x64xf32, #tpu.memory_space<hbm>>) target(%dma_start3A_466 : memref<128x64xf32, #tpu.memory_space<vmem>>) offsets(%dma_start3A_469 : memref<128xi32, #tpu.memory_space<vmem>>) semaphore(%arg9 : memref<!tpu.dma_semaphore, #tpu.memory_space<semaphore_mem>>)
      %dma_start3A_473 = arith.constant 2 : i32
      %dma_start3A_474 = arith.constant 128 : i32
      %dma_start3A_475 = arith.constant 0 : i32
      %dma_start3A_476 = tpu.memref_slice %arg6[%dma_start3A_473, %dma_start3A_474, %dma_start3A_475] : memref<3x200x64xf32, #tpu.memory_space<vmem>> -> memref<1x72x64xf32, #tpu.memory_space<vmem>>
      %dma_start3A_477 = tpu.memref_squeeze %dma_start3A_476 : memref<1x72x64xf32, #tpu.memory_space<vmem>> -> memref<72x64xf32, #tpu.memory_space<vmem>>
      %dma_start3A_478 = arith.constant 128 : i32
      %dma_start3A_479 = tpu.memref_slice %arg5[%add3A_461, %dma_start3A_478] : memref<128x200xi32, #tpu.memory_space<vmem>> -> memref<1x72xi32, #tpu.memory_space<vmem>>
      %dma_start3A_480 = tpu.memref_squeeze %dma_start3A_479 : memref<1x72xi32, #tpu.memory_space<vmem>> -> memref<72xi32, #tpu.memory_space<vmem>>
      %dma_start3A_481 = arith.constant 0 : i32
      %dma_start3A_482 = arith.constant 0 : i32
      %dma_start3A_483 = tpu.memref_slice %arg2[%dma_start3A_481, %dma_start3A_482] : memref<1000000x64xf32, #tpu.memory_space<hbm>> -> memref<1000000x64xf32, #tpu.memory_space<hbm>>
      tpu.enqueue_indirect_dma source(%dma_start3A_483 : memref<1000000x64xf32, #tpu.memory_space<hbm>>) target(%dma_start3A_477 : memref<72x64xf32, #tpu.memory_space<vmem>>) offsets(%dma_start3A_480 : memref<72xi32, #tpu.memory_space<vmem>>) semaphore(%arg9 : memref<!tpu.dma_semaphore, #tpu.memory_space<semaphore_mem>>)
      %dma_wait3A_484 = arith.constant 0 : i32
      %dma_wait3A_485 = arith.constant 0 : i32
      %dma_wait3A_486 = arith.constant 0 : i32
      %dma_wait3A_487 = tpu.memref_slice %arg6[%dma_wait3A_484, %dma_wait3A_485, %dma_wait3A_486] : memref<3x200x64xf32, #tpu.memory_space<vmem>> -> memref<1x128x64xf32, #tpu.memory_space<vmem>>
      %dma_wait3A_488 = tpu.memref_squeeze %dma_wait3A_487 : memref<1x128x64xf32, #tpu.memory_space<vmem>> -> memref<128x64xf32, #tpu.memory_space<vmem>>
      %dma_wait3A_489 = arith.constant 0 : i32
      %dma_wait3A_490 = tpu.memref_slice %arg5[%add3A_440, %dma_wait3A_489] : memref<128x200xi32, #tpu.memory_space<vmem>> -> memref<1x128xi32, #tpu.memory_space<vmem>>
      %dma_wait3A_491 = tpu.memref_squeeze %dma_wait3A_490 : memref<1x128xi32, #tpu.memory_space<vmem>> -> memref<128xi32, #tpu.memory_space<vmem>>
      %dma_wait3A_492 = arith.constant 0 : i32
      %dma_wait3A_493 = arith.constant 0 : i32
      %dma_wait3A_494 = tpu.memref_slice %arg2[%dma_wait3A_492, %dma_wait3A_493] : memref<1000000x64xf32, #tpu.memory_space<hbm>> -> memref<1000000x64xf32, #tpu.memory_space<hbm>>
      tpu.wait_indirect_dma semaphore(%arg7 : memref<!tpu.dma_semaphore, #tpu.memory_space<semaphore_mem>>) src(%dma_wait3A_494 : memref<1000000x64xf32, #tpu.memory_space<hbm>>) dst(%dma_wait3A_488 : memref<128x64xf32, #tpu.memory_space<vmem>>)
      %dma_wait3A_495 = arith.constant 0 : i32
      %dma_wait3A_496 = arith.constant 128 : i32
      %dma_wait3A_497 = arith.constant 0 : i32
      %dma_wait3A_498 = tpu.memref_slice %arg6[%dma_wait3A_495, %dma_wait3A_496, %dma_wait3A_497] : memref<3x200x64xf32, #tpu.memory_space<vmem>> -> memref<1x72x64xf32, #tpu.memory_space<vmem>>
      %dma_wait3A_499 = tpu.memref_squeeze %dma_wait3A_498 : memref<1x72x64xf32, #tpu.memory_space<vmem>> -> memref<72x64xf32, #tpu.memory_space<vmem>>
      %dma_wait3A_500 = arith.constant 128 : i32
      %dma_wait3A_501 = tpu.memref_slice %arg5[%add3A_440, %dma_wait3A_500] : memref<128x200xi32, #tpu.memory_space<vmem>> -> memref<1x72xi32, #tpu.memory_space<vmem>>
      %dma_wait3A_502 = tpu.memref_squeeze %dma_wait3A_501 : memref<1x72xi32, #tpu.memory_space<vmem>> -> memref<72xi32, #tpu.memory_space<vmem>>
      %dma_wait3A_503 = arith.constant 0 : i32
      %dma_wait3A_504 = arith.constant 0 : i32
      %dma_wait3A_505 = tpu.memref_slice %arg2[%dma_wait3A_503, %dma_wait3A_504] : memref<1000000x64xf32, #tpu.memory_space<hbm>> -> memref<1000000x64xf32, #tpu.memory_space<hbm>>
      tpu.wait_indirect_dma semaphore(%arg7 : memref<!tpu.dma_semaphore, #tpu.memory_space<semaphore_mem>>) src(%dma_wait3A_505 : memref<1000000x64xf32, #tpu.memory_space<hbm>>) dst(%dma_wait3A_499 : memref<72x64xf32, #tpu.memory_space<vmem>>)
      %add3A_506 = arith.addi %mul3A_2, %add3A_440 : i32
      %dma_start3A_507 = arith.constant 0 : i32
      %dma_start3A_508 = arith.constant 0 : i32
      %dma_start3A_509 = arith.constant 0 : i32
      %dma_start3A_510 = tpu.memref_slice %arg6[%dma_start3A_507, %dma_start3A_508, %dma_start3A_509] : memref<3x200x64xf32, #tpu.memory_space<vmem>> -> memref<1x200x64xf32, #tpu.memory_space<vmem>>
      %dma_start3A_511 = tpu.memref_squeeze %dma_start3A_510 : memref<1x200x64xf32, #tpu.memory_space<vmem>> -> memref<200x64xf32, #tpu.memory_space<vmem>>
      %dma_start3A_512 = arith.constant 0 : i32
      %dma_start3A_513 = arith.constant 0 : i32
      %dma_start3A_514 = tpu.memref_slice %arg4[%add3A_506, %dma_start3A_512, %dma_start3A_513] : memref<4096x200x128xf32, #tpu.memory_space<hbm>> -> memref<1x200x64xf32, #tpu.memory_space<hbm>>
      %dma_start3A_515 = tpu.memref_squeeze %dma_start3A_514 : memref<1x200x64xf32, #tpu.memory_space<hbm>> -> memref<200x64xf32, #tpu.memory_space<hbm>>
      %dma_start3A_516 = arith.constant 0 : i32
      %dma_start3A_517 = arith.constant 0 : i32
      %dma_start3A_518 = tpu.memref_slice %arg4[%add3A_506, %dma_start3A_516, %dma_start3A_517] : memref<4096x200x128xf32, #tpu.memory_space<hbm>> -> memref<1x200x64xf32, #tpu.memory_space<hbm>>
      %dma_start3A_519 = tpu.memref_squeeze %dma_start3A_518 : memref<1x200x64xf32, #tpu.memory_space<hbm>> -> memref<200x64xf32, #tpu.memory_space<hbm>>
      %dma_start3A_520 = arith.constant 0 : i32
      %dma_start3A_521 = arith.constant 0 : i32
      %dma_start3A_522 = tpu.memref_slice %arg6[%dma_start3A_507, %dma_start3A_520, %dma_start3A_521] : memref<3x200x64xf32, #tpu.memory_space<vmem>> -> memref<1x200x64xf32, #tpu.memory_space<vmem>>
      %dma_start3A_523 = tpu.memref_squeeze %dma_start3A_522 : memref<1x200x64xf32, #tpu.memory_space<vmem>> -> memref<200x64xf32, #tpu.memory_space<vmem>>
      tpu.enqueue_dma source(%dma_start3A_523 : memref<200x64xf32, #tpu.memory_space<vmem>>) target(%dma_start3A_519 : memref<200x64xf32, #tpu.memory_space<hbm>>) target_semaphore(%arg10 : memref<!tpu.dma_semaphore, #tpu.memory_space<semaphore_mem>>)
      %add3A_524 = arith.constant 1 : i32
      %add3A_525 = arith.addi %mul3A_438, %add3A_524 : i32
      %sub3A_526 = arith.constant 1 : i32
      %sub3A_527 = arith.subi %add3A_525, %sub3A_526 : i32
      %add3A_528 = arith.addi %mul3A_2, %sub3A_527 : i32
      %dma_wait3A_529 = arith.constant 0 : i32
      %dma_wait3A_530 = arith.constant 0 : i32
      %dma_wait3A_531 = arith.constant 0 : i32
      %dma_wait3A_532 = tpu.memref_slice %arg6[%dma_wait3A_529, %dma_wait3A_530, %dma_wait3A_531] : memref<3x200x64xf32, #tpu.memory_space<vmem>> -> memref<1x200x64xf32, #tpu.memory_space<vmem>>
      %dma_wait3A_533 = tpu.memref_squeeze %dma_wait3A_532 : memref<1x200x64xf32, #tpu.memory_space<vmem>> -> memref<200x64xf32, #tpu.memory_space<vmem>>
      %dma_wait3A_534 = arith.constant 0 : i32
      %dma_wait3A_535 = arith.constant 0 : i32
      %dma_wait3A_536 = tpu.memref_slice %arg4[%add3A_528, %dma_wait3A_534, %dma_wait3A_535] : memref<4096x200x128xf32, #tpu.memory_space<hbm>> -> memref<1x200x64xf32, #tpu.memory_space<hbm>>
      %dma_wait3A_537 = tpu.memref_squeeze %dma_wait3A_536 : memref<1x200x64xf32, #tpu.memory_space<hbm>> -> memref<200x64xf32, #tpu.memory_space<hbm>>
      %dma_wait3A_538 = arith.constant 0 : i32
      %dma_wait3A_539 = arith.constant 0 : i32
      %dma_wait3A_540 = tpu.memref_slice %arg4[%add3A_528, %dma_wait3A_538, %dma_wait3A_539] : memref<4096x200x128xf32, #tpu.memory_space<hbm>> -> memref<1x200x64xf32, #tpu.memory_space<hbm>>
      %dma_wait3A_541 = tpu.memref_squeeze %dma_wait3A_540 : memref<1x200x64xf32, #tpu.memory_space<hbm>> -> memref<200x64xf32, #tpu.memory_space<hbm>>
      %dma_wait3A_542 = arith.constant 0 : i32
      %dma_wait3A_543 = arith.constant 0 : i32
      %dma_wait3A_544 = tpu.memref_slice %arg6[%dma_wait3A_529, %dma_wait3A_542, %dma_wait3A_543] : memref<3x200x64xf32, #tpu.memory_space<vmem>> -> memref<1x200x64xf32, #tpu.memory_space<vmem>>
      %dma_wait3A_545 = tpu.memref_squeeze %dma_wait3A_544 : memref<1x200x64xf32, #tpu.memory_space<vmem>> -> memref<200x64xf32, #tpu.memory_space<vmem>>
      tpu.wait_dma2 semaphore(%arg10 : memref<!tpu.dma_semaphore, #tpu.memory_space<semaphore_mem>>) src(%dma_wait3A_545 : memref<200x64xf32, #tpu.memory_space<vmem>>) dst(%dma_wait3A_541 : memref<200x64xf32, #tpu.memory_space<hbm>>)
      %add3A_546 = arith.constant 2 : i32
      %add3A_547 = arith.addi %add3A_525, %add3A_546 : i32
      %dma_start3A_548 = arith.constant 0 : i32
      %dma_start3A_549 = arith.constant 0 : i32
      %dma_start3A_550 = arith.constant 0 : i32
      %dma_start3A_551 = tpu.memref_slice %arg6[%dma_start3A_548, %dma_start3A_549, %dma_start3A_550] : memref<3x200x64xf32, #tpu.memory_space<vmem>> -> memref<1x128x64xf32, #tpu.memory_space<vmem>>
      %dma_start3A_552 = tpu.memref_squeeze %dma_start3A_551 : memref<1x128x64xf32, #tpu.memory_space<vmem>> -> memref<128x64xf32, #tpu.memory_space<vmem>>
      %dma_start3A_553 = arith.constant 0 : i32
      %dma_start3A_554 = tpu.memref_slice %arg5[%add3A_547, %dma_start3A_553] : memref<128x200xi32, #tpu.memory_space<vmem>> -> memref<1x128xi32, #tpu.memory_space<vmem>>
      %dma_start3A_555 = tpu.memref_squeeze %dma_start3A_554 : memref<1x128xi32, #tpu.memory_space<vmem>> -> memref<128xi32, #tpu.memory_space<vmem>>
      %dma_start3A_556 = arith.constant 0 : i32
      %dma_start3A_557 = arith.constant 0 : i32
      %dma_start3A_558 = tpu.memref_slice %arg2[%dma_start3A_556, %dma_start3A_557] : memref<1000000x64xf32, #tpu.memory_space<hbm>> -> memref<1000000x64xf32, #tpu.memory_space<hbm>>
      tpu.enqueue_indirect_dma source(%dma_start3A_558 : memref<1000000x64xf32, #tpu.memory_space<hbm>>) target(%dma_start3A_552 : memref<128x64xf32, #tpu.memory_space<vmem>>) offsets(%dma_start3A_555 : memref<128xi32, #tpu.memory_space<vmem>>) semaphore(%arg7 : memref<!tpu.dma_semaphore, #tpu.memory_space<semaphore_mem>>)
      %dma_start3A_559 = arith.constant 0 : i32
      %dma_start3A_560 = arith.constant 128 : i32
      %dma_start3A_561 = arith.constant 0 : i32
      %dma_start3A_562 = tpu.memref_slice %arg6[%dma_start3A_559, %dma_start3A_560, %dma_start3A_561] : memref<3x200x64xf32, #tpu.memory_space<vmem>> -> memref<1x72x64xf32, #tpu.memory_space<vmem>>
      %dma_start3A_563 = tpu.memref_squeeze %dma_start3A_562 : memref<1x72x64xf32, #tpu.memory_space<vmem>> -> memref<72x64xf32, #tpu.memory_space<vmem>>
      %dma_start3A_564 = arith.constant 128 : i32
      %dma_start3A_565 = tpu.memref_slice %arg5[%add3A_547, %dma_start3A_564] : memref<128x200xi32, #tpu.memory_space<vmem>> -> memref<1x72xi32, #tpu.memory_space<vmem>>
      %dma_start3A_566 = tpu.memref_squeeze %dma_start3A_565 : memref<1x72xi32, #tpu.memory_space<vmem>> -> memref<72xi32, #tpu.memory_space<vmem>>
      %dma_start3A_567 = arith.constant 0 : i32
      %dma_start3A_568 = arith.constant 0 : i32
      %dma_start3A_569 = tpu.memref_slice %arg2[%dma_start3A_567, %dma_start3A_568] : memref<1000000x64xf32, #tpu.memory_space<hbm>> -> memref<1000000x64xf32, #tpu.memory_space<hbm>>
      tpu.enqueue_indirect_dma source(%dma_start3A_569 : memref<1000000x64xf32, #tpu.memory_space<hbm>>) target(%dma_start3A_563 : memref<72x64xf32, #tpu.memory_space<vmem>>) offsets(%dma_start3A_566 : memref<72xi32, #tpu.memory_space<vmem>>) semaphore(%arg7 : memref<!tpu.dma_semaphore, #tpu.memory_space<semaphore_mem>>)
      %dma_wait3A_570 = arith.constant 1 : i32
      %dma_wait3A_571 = arith.constant 0 : i32
      %dma_wait3A_572 = arith.constant 0 : i32
      %dma_wait3A_573 = tpu.memref_slice %arg6[%dma_wait3A_570, %dma_wait3A_571, %dma_wait3A_572] : memref<3x200x64xf32, #tpu.memory_space<vmem>> -> memref<1x128x64xf32, #tpu.memory_space<vmem>>
      %dma_wait3A_574 = tpu.memref_squeeze %dma_wait3A_573 : memref<1x128x64xf32, #tpu.memory_space<vmem>> -> memref<128x64xf32, #tpu.memory_space<vmem>>
      %dma_wait3A_575 = arith.constant 0 : i32
      %dma_wait3A_576 = tpu.memref_slice %arg5[%add3A_525, %dma_wait3A_575] : memref<128x200xi32, #tpu.memory_space<vmem>> -> memref<1x128xi32, #tpu.memory_space<vmem>>
      %dma_wait3A_577 = tpu.memref_squeeze %dma_wait3A_576 : memref<1x128xi32, #tpu.memory_space<vmem>> -> memref<128xi32, #tpu.memory_space<vmem>>
      %dma_wait3A_578 = arith.constant 0 : i32
      %dma_wait3A_579 = arith.constant 0 : i32
      %dma_wait3A_580 = tpu.memref_slice %arg2[%dma_wait3A_578, %dma_wait3A_579] : memref<1000000x64xf32, #tpu.memory_space<hbm>> -> memref<1000000x64xf32, #tpu.memory_space<hbm>>
      tpu.wait_indirect_dma semaphore(%arg8 : memref<!tpu.dma_semaphore, #tpu.memory_space<semaphore_mem>>) src(%dma_wait3A_580 : memref<1000000x64xf32, #tpu.memory_space<hbm>>) dst(%dma_wait3A_574 : memref<128x64xf32, #tpu.memory_space<vmem>>)
      %dma_wait3A_581 = arith.constant 1 : i32
      %dma_wait3A_582 = arith.constant 128 : i32
      %dma_wait3A_583 = arith.constant 0 : i32
      %dma_wait3A_584 = tpu.memref_slice %arg6[%dma_wait3A_581, %dma_wait3A_582, %dma_wait3A_583] : memref<3x200x64xf32, #tpu.memory_space<vmem>> -> memref<1x72x64xf32, #tpu.memory_space<vmem>>
      %dma_wait3A_585 = tpu.memref_squeeze %dma_wait3A_584 : memref<1x72x64xf32, #tpu.memory_space<vmem>> -> memref<72x64xf32, #tpu.memory_space<vmem>>
      %dma_wait3A_586 = arith.constant 128 : i32
      %dma_wait3A_587 = tpu.memref_slice %arg5[%add3A_525, %dma_wait3A_586] : memref<128x200xi32, #tpu.memory_space<vmem>> -> memref<1x72xi32, #tpu.memory_space<vmem>>
      %dma_wait3A_588 = tpu.memref_squeeze %dma_wait3A_587 : memref<1x72xi32, #tpu.memory_space<vmem>> -> memref<72xi32, #tpu.memory_space<vmem>>
      %dma_wait3A_589 = arith.constant 0 : i32
      %dma_wait3A_590 = arith.constant 0 : i32
      %dma_wait3A_591 = tpu.memref_slice %arg2[%dma_wait3A_589, %dma_wait3A_590] : memref<1000000x64xf32, #tpu.memory_space<hbm>> -> memref<1000000x64xf32, #tpu.memory_space<hbm>>
      tpu.wait_indirect_dma semaphore(%arg8 : memref<!tpu.dma_semaphore, #tpu.memory_space<semaphore_mem>>) src(%dma_wait3A_591 : memref<1000000x64xf32, #tpu.memory_space<hbm>>) dst(%dma_wait3A_585 : memref<72x64xf32, #tpu.memory_space<vmem>>)
      %add3A_592 = arith.addi %mul3A_2, %add3A_525 : i32
      %dma_start3A_593 = arith.constant 1 : i32
      %dma_start3A_594 = arith.constant 0 : i32
      %dma_start3A_595 = arith.constant 0 : i32
      %dma_start3A_596 = tpu.memref_slice %arg6[%dma_start3A_593, %dma_start3A_594, %dma_start3A_595] : memref<3x200x64xf32, #tpu.memory_space<vmem>> -> memref<1x200x64xf32, #tpu.memory_space<vmem>>
      %dma_start3A_597 = tpu.memref_squeeze %dma_start3A_596 : memref<1x200x64xf32, #tpu.memory_space<vmem>> -> memref<200x64xf32, #tpu.memory_space<vmem>>
      %dma_start3A_598 = arith.constant 0 : i32
      %dma_start3A_599 = arith.constant 0 : i32
      %dma_start3A_600 = tpu.memref_slice %arg4[%add3A_592, %dma_start3A_598, %dma_start3A_599] : memref<4096x200x128xf32, #tpu.memory_space<hbm>> -> memref<1x200x64xf32, #tpu.memory_space<hbm>>
      %dma_start3A_601 = tpu.memref_squeeze %dma_start3A_600 : memref<1x200x64xf32, #tpu.memory_space<hbm>> -> memref<200x64xf32, #tpu.memory_space<hbm>>
      %dma_start3A_602 = arith.constant 0 : i32
      %dma_start3A_603 = arith.constant 0 : i32
      %dma_start3A_604 = tpu.memref_slice %arg4[%add3A_592, %dma_start3A_602, %dma_start3A_603] : memref<4096x200x128xf32, #tpu.memory_space<hbm>> -> memref<1x200x64xf32, #tpu.memory_space<hbm>>
      %dma_start3A_605 = tpu.memref_squeeze %dma_start3A_604 : memref<1x200x64xf32, #tpu.memory_space<hbm>> -> memref<200x64xf32, #tpu.memory_space<hbm>>
      %dma_start3A_606 = arith.constant 0 : i32
      %dma_start3A_607 = arith.constant 0 : i32
      %dma_start3A_608 = tpu.memref_slice %arg6[%dma_start3A_593, %dma_start3A_606, %dma_start3A_607] : memref<3x200x64xf32, #tpu.memory_space<vmem>> -> memref<1x200x64xf32, #tpu.memory_space<vmem>>
      %dma_start3A_609 = tpu.memref_squeeze %dma_start3A_608 : memref<1x200x64xf32, #tpu.memory_space<vmem>> -> memref<200x64xf32, #tpu.memory_space<vmem>>
      tpu.enqueue_dma source(%dma_start3A_609 : memref<200x64xf32, #tpu.memory_space<vmem>>) target(%dma_start3A_605 : memref<200x64xf32, #tpu.memory_space<hbm>>) target_semaphore(%arg11 : memref<!tpu.dma_semaphore, #tpu.memory_space<semaphore_mem>>)
      %add3A_610 = arith.constant 2 : i32
      %add3A_611 = arith.addi %mul3A_438, %add3A_610 : i32
      %sub3A_612 = arith.constant 1 : i32
      %sub3A_613 = arith.subi %add3A_611, %sub3A_612 : i32
      %add3A_614 = arith.addi %mul3A_2, %sub3A_613 : i32
      %dma_wait3A_615 = arith.constant 1 : i32
      %dma_wait3A_616 = arith.constant 0 : i32
      %dma_wait3A_617 = arith.constant 0 : i32
      %dma_wait3A_618 = tpu.memref_slice %arg6[%dma_wait3A_615, %dma_wait3A_616, %dma_wait3A_617] : memref<3x200x64xf32, #tpu.memory_space<vmem>> -> memref<1x200x64xf32, #tpu.memory_space<vmem>>
      %dma_wait3A_619 = tpu.memref_squeeze %dma_wait3A_618 : memref<1x200x64xf32, #tpu.memory_space<vmem>> -> memref<200x64xf32, #tpu.memory_space<vmem>>
      %dma_wait3A_620 = arith.constant 0 : i32
      %dma_wait3A_621 = arith.constant 0 : i32
      %dma_wait3A_622 = tpu.memref_slice %arg4[%add3A_614, %dma_wait3A_620, %dma_wait3A_621] : memref<4096x200x128xf32, #tpu.memory_space<hbm>> -> memref<1x200x64xf32, #tpu.memory_space<hbm>>
      %dma_wait3A_623 = tpu.memref_squeeze %dma_wait3A_622 : memref<1x200x64xf32, #tpu.memory_space<hbm>> -> memref<200x64xf32, #tpu.memory_space<hbm>>
      %dma_wait3A_624 = arith.constant 0 : i32
      %dma_wait3A_625 = arith.constant 0 : i32
      %dma_wait3A_626 = tpu.memref_slice %arg4[%add3A_614, %dma_wait3A_624, %dma_wait3A_625] : memref<4096x200x128xf32, #tpu.memory_space<hbm>> -> memref<1x200x64xf32, #tpu.memory_space<hbm>>
      %dma_wait3A_627 = tpu.memref_squeeze %dma_wait3A_626 : memref<1x200x64xf32, #tpu.memory_space<hbm>> -> memref<200x64xf32, #tpu.memory_space<hbm>>
      %dma_wait3A_628 = arith.constant 0 : i32
      %dma_wait3A_629 = arith.constant 0 : i32
      %dma_wait3A_630 = tpu.memref_slice %arg6[%dma_wait3A_615, %dma_wait3A_628, %dma_wait3A_629] : memref<3x200x64xf32, #tpu.memory_space<vmem>> -> memref<1x200x64xf32, #tpu.memory_space<vmem>>
      %dma_wait3A_631 = tpu.memref_squeeze %dma_wait3A_630 : memref<1x200x64xf32, #tpu.memory_space<vmem>> -> memref<200x64xf32, #tpu.memory_space<vmem>>
      tpu.wait_dma2 semaphore(%arg11 : memref<!tpu.dma_semaphore, #tpu.memory_space<semaphore_mem>>) src(%dma_wait3A_631 : memref<200x64xf32, #tpu.memory_space<vmem>>) dst(%dma_wait3A_627 : memref<200x64xf32, #tpu.memory_space<hbm>>)
      %add3A_632 = arith.constant 2 : i32
      %add3A_633 = arith.addi %add3A_611, %add3A_632 : i32
      %dma_start3A_634 = arith.constant 1 : i32
      %dma_start3A_635 = arith.constant 0 : i32
      %dma_start3A_636 = arith.constant 0 : i32
      %dma_start3A_637 = tpu.memref_slice %arg6[%dma_start3A_634, %dma_start3A_635, %dma_start3A_636] : memref<3x200x64xf32, #tpu.memory_space<vmem>> -> memref<1x128x64xf32, #tpu.memory_space<vmem>>
      %dma_start3A_638 = tpu.memref_squeeze %dma_start3A_637 : memref<1x128x64xf32, #tpu.memory_space<vmem>> -> memref<128x64xf32, #tpu.memory_space<vmem>>
      %dma_start3A_639 = arith.constant 0 : i32
      %dma_start3A_640 = tpu.memref_slice %arg5[%add3A_633, %dma_start3A_639] : memref<128x200xi32, #tpu.memory_space<vmem>> -> memref<1x128xi32, #tpu.memory_space<vmem>>
      %dma_start3A_641 = tpu.memref_squeeze %dma_start3A_640 : memref<1x128xi32, #tpu.memory_space<vmem>> -> memref<128xi32, #tpu.memory_space<vmem>>
      %dma_start3A_642 = arith.constant 0 : i32
      %dma_start3A_643 = arith.constant 0 : i32
      %dma_start3A_644 = tpu.memref_slice %arg2[%dma_start3A_642, %dma_start3A_643] : memref<1000000x64xf32, #tpu.memory_space<hbm>> -> memref<1000000x64xf32, #tpu.memory_space<hbm>>
      tpu.enqueue_indirect_dma source(%dma_start3A_644 : memref<1000000x64xf32, #tpu.memory_space<hbm>>) target(%dma_start3A_638 : memref<128x64xf32, #tpu.memory_space<vmem>>) offsets(%dma_start3A_641 : memref<128xi32, #tpu.memory_space<vmem>>) semaphore(%arg8 : memref<!tpu.dma_semaphore, #tpu.memory_space<semaphore_mem>>)
      %dma_start3A_645 = arith.constant 1 : i32
      %dma_start3A_646 = arith.constant 128 : i32
      %dma_start3A_647 = arith.constant 0 : i32
      %dma_start3A_648 = tpu.memref_slice %arg6[%dma_start3A_645, %dma_start3A_646, %dma_start3A_647] : memref<3x200x64xf32, #tpu.memory_space<vmem>> -> memref<1x72x64xf32, #tpu.memory_space<vmem>>
      %dma_start3A_649 = tpu.memref_squeeze %dma_start3A_648 : memref<1x72x64xf32, #tpu.memory_space<vmem>> -> memref<72x64xf32, #tpu.memory_space<vmem>>
      %dma_start3A_650 = arith.constant 128 : i32
      %dma_start3A_651 = tpu.memref_slice %arg5[%add3A_633, %dma_start3A_650] : memref<128x200xi32, #tpu.memory_space<vmem>> -> memref<1x72xi32, #tpu.memory_space<vmem>>
      %dma_start3A_652 = tpu.memref_squeeze %dma_start3A_651 : memref<1x72xi32, #tpu.memory_space<vmem>> -> memref<72xi32, #tpu.memory_space<vmem>>
      %dma_start3A_653 = arith.constant 0 : i32
      %dma_start3A_654 = arith.constant 0 : i32
      %dma_start3A_655 = tpu.memref_slice %arg2[%dma_start3A_653, %dma_start3A_654] : memref<1000000x64xf32, #tpu.memory_space<hbm>> -> memref<1000000x64xf32, #tpu.memory_space<hbm>>
      tpu.enqueue_indirect_dma source(%dma_start3A_655 : memref<1000000x64xf32, #tpu.memory_space<hbm>>) target(%dma_start3A_649 : memref<72x64xf32, #tpu.memory_space<vmem>>) offsets(%dma_start3A_652 : memref<72xi32, #tpu.memory_space<vmem>>) semaphore(%arg8 : memref<!tpu.dma_semaphore, #tpu.memory_space<semaphore_mem>>)
      %dma_wait3A_656 = arith.constant 2 : i32
      %dma_wait3A_657 = arith.constant 0 : i32
      %dma_wait3A_658 = arith.constant 0 : i32
      %dma_wait3A_659 = tpu.memref_slice %arg6[%dma_wait3A_656, %dma_wait3A_657, %dma_wait3A_658] : memref<3x200x64xf32, #tpu.memory_space<vmem>> -> memref<1x128x64xf32, #tpu.memory_space<vmem>>
      %dma_wait3A_660 = tpu.memref_squeeze %dma_wait3A_659 : memref<1x128x64xf32, #tpu.memory_space<vmem>> -> memref<128x64xf32, #tpu.memory_space<vmem>>
      %dma_wait3A_661 = arith.constant 0 : i32
      %dma_wait3A_662 = tpu.memref_slice %arg5[%add3A_611, %dma_wait3A_661] : memref<128x200xi32, #tpu.memory_space<vmem>> -> memref<1x128xi32, #tpu.memory_space<vmem>>
      %dma_wait3A_663 = tpu.memref_squeeze %dma_wait3A_662 : memref<1x128xi32, #tpu.memory_space<vmem>> -> memref<128xi32, #tpu.memory_space<vmem>>
      %dma_wait3A_664 = arith.constant 0 : i32
      %dma_wait3A_665 = arith.constant 0 : i32
      %dma_wait3A_666 = tpu.memref_slice %arg2[%dma_wait3A_664, %dma_wait3A_665] : memref<1000000x64xf32, #tpu.memory_space<hbm>> -> memref<1000000x64xf32, #tpu.memory_space<hbm>>
      tpu.wait_indirect_dma semaphore(%arg9 : memref<!tpu.dma_semaphore, #tpu.memory_space<semaphore_mem>>) src(%dma_wait3A_666 : memref<1000000x64xf32, #tpu.memory_space<hbm>>) dst(%dma_wait3A_660 : memref<128x64xf32, #tpu.memory_space<vmem>>)
      %dma_wait3A_667 = arith.constant 2 : i32
      %dma_wait3A_668 = arith.constant 128 : i32
      %dma_wait3A_669 = arith.constant 0 : i32
      %dma_wait3A_670 = tpu.memref_slice %arg6[%dma_wait3A_667, %dma_wait3A_668, %dma_wait3A_669] : memref<3x200x64xf32, #tpu.memory_space<vmem>> -> memref<1x72x64xf32, #tpu.memory_space<vmem>>
      %dma_wait3A_671 = tpu.memref_squeeze %dma_wait3A_670 : memref<1x72x64xf32, #tpu.memory_space<vmem>> -> memref<72x64xf32, #tpu.memory_space<vmem>>
      %dma_wait3A_672 = arith.constant 128 : i32
      %dma_wait3A_673 = tpu.memref_slice %arg5[%add3A_611, %dma_wait3A_672] : memref<128x200xi32, #tpu.memory_space<vmem>> -> memref<1x72xi32, #tpu.memory_space<vmem>>
      %dma_wait3A_674 = tpu.memref_squeeze %dma_wait3A_673 : memref<1x72xi32, #tpu.memory_space<vmem>> -> memref<72xi32, #tpu.memory_space<vmem>>
      %dma_wait3A_675 = arith.constant 0 : i32
      %dma_wait3A_676 = arith.constant 0 : i32
      %dma_wait3A_677 = tpu.memref_slice %arg2[%dma_wait3A_675, %dma_wait3A_676] : memref<1000000x64xf32, #tpu.memory_space<hbm>> -> memref<1000000x64xf32, #tpu.memory_space<hbm>>
      tpu.wait_indirect_dma semaphore(%arg9 : memref<!tpu.dma_semaphore, #tpu.memory_space<semaphore_mem>>) src(%dma_wait3A_677 : memref<1000000x64xf32, #tpu.memory_space<hbm>>) dst(%dma_wait3A_671 : memref<72x64xf32, #tpu.memory_space<vmem>>)
      %add3A_678 = arith.addi %mul3A_2, %add3A_611 : i32
      %dma_start3A_679 = arith.constant 2 : i32
      %dma_start3A_680 = arith.constant 0 : i32
      %dma_start3A_681 = arith.constant 0 : i32
      %dma_start3A_682 = tpu.memref_slice %arg6[%dma_start3A_679, %dma_start3A_680, %dma_start3A_681] : memref<3x200x64xf32, #tpu.memory_space<vmem>> -> memref<1x200x64xf32, #tpu.memory_space<vmem>>
      %dma_start3A_683 = tpu.memref_squeeze %dma_start3A_682 : memref<1x200x64xf32, #tpu.memory_space<vmem>> -> memref<200x64xf32, #tpu.memory_space<vmem>>
      %dma_start3A_684 = arith.constant 0 : i32
      %dma_start3A_685 = arith.constant 0 : i32
      %dma_start3A_686 = tpu.memref_slice %arg4[%add3A_678, %dma_start3A_684, %dma_start3A_685] : memref<4096x200x128xf32, #tpu.memory_space<hbm>> -> memref<1x200x64xf32, #tpu.memory_space<hbm>>
      %dma_start3A_687 = tpu.memref_squeeze %dma_start3A_686 : memref<1x200x64xf32, #tpu.memory_space<hbm>> -> memref<200x64xf32, #tpu.memory_space<hbm>>
      %dma_start3A_688 = arith.constant 0 : i32
      %dma_start3A_689 = arith.constant 0 : i32
      %dma_start3A_690 = tpu.memref_slice %arg4[%add3A_678, %dma_start3A_688, %dma_start3A_689] : memref<4096x200x128xf32, #tpu.memory_space<hbm>> -> memref<1x200x64xf32, #tpu.memory_space<hbm>>
      %dma_start3A_691 = tpu.memref_squeeze %dma_start3A_690 : memref<1x200x64xf32, #tpu.memory_space<hbm>> -> memref<200x64xf32, #tpu.memory_space<hbm>>
      %dma_start3A_692 = arith.constant 0 : i32
      %dma_start3A_693 = arith.constant 0 : i32
      %dma_start3A_694 = tpu.memref_slice %arg6[%dma_start3A_679, %dma_start3A_692, %dma_start3A_693] : memref<3x200x64xf32, #tpu.memory_space<vmem>> -> memref<1x200x64xf32, #tpu.memory_space<vmem>>
      %dma_start3A_695 = tpu.memref_squeeze %dma_start3A_694 : memref<1x200x64xf32, #tpu.memory_space<vmem>> -> memref<200x64xf32, #tpu.memory_space<vmem>>
      tpu.enqueue_dma source(%dma_start3A_695 : memref<200x64xf32, #tpu.memory_space<vmem>>) target(%dma_start3A_691 : memref<200x64xf32, #tpu.memory_space<hbm>>) target_semaphore(%arg12 : memref<!tpu.dma_semaphore, #tpu.memory_space<semaphore_mem>>)
    }
    %scan3A_292 = arith.constant 41 : i32
    %add3A_293 = arith.constant 125 : i32
    %add3A_294 = arith.addi %mul3A_2, %add3A_293 : i32
    %dma_wait3A_295 = arith.constant 2 : i32
    %dma_wait3A_296 = arith.constant 0 : i32
    %dma_wait3A_297 = arith.constant 0 : i32
    %dma_wait3A_298 = tpu.memref_slice %arg6[%dma_wait3A_295, %dma_wait3A_296, %dma_wait3A_297] : memref<3x200x64xf32, #tpu.memory_space<vmem>> -> memref<1x200x64xf32, #tpu.memory_space<vmem>>
    %dma_wait3A_299 = tpu.memref_squeeze %dma_wait3A_298 : memref<1x200x64xf32, #tpu.memory_space<vmem>> -> memref<200x64xf32, #tpu.memory_space<vmem>>
    %dma_wait3A_300 = arith.constant 0 : i32
    %dma_wait3A_301 = arith.constant 0 : i32
    %dma_wait3A_302 = tpu.memref_slice %arg4[%add3A_294, %dma_wait3A_300, %dma_wait3A_301] : memref<4096x200x128xf32, #tpu.memory_space<hbm>> -> memref<1x200x64xf32, #tpu.memory_space<hbm>>
    %dma_wait3A_303 = tpu.memref_squeeze %dma_wait3A_302 : memref<1x200x64xf32, #tpu.memory_space<hbm>> -> memref<200x64xf32, #tpu.memory_space<hbm>>
    %dma_wait3A_304 = arith.constant 0 : i32
    %dma_wait3A_305 = arith.constant 0 : i32
    %dma_wait3A_306 = tpu.memref_slice %arg4[%add3A_294, %dma_wait3A_304, %dma_wait3A_305] : memref<4096x200x128xf32, #tpu.memory_space<hbm>> -> memref<1x200x64xf32, #tpu.memory_space<hbm>>
    %dma_wait3A_307 = tpu.memref_squeeze %dma_wait3A_306 : memref<1x200x64xf32, #tpu.memory_space<hbm>> -> memref<200x64xf32, #tpu.memory_space<hbm>>
    %dma_wait3A_308 = arith.constant 0 : i32
    %dma_wait3A_309 = arith.constant 0 : i32
    %dma_wait3A_310 = tpu.memref_slice %arg6[%dma_wait3A_295, %dma_wait3A_308, %dma_wait3A_309] : memref<3x200x64xf32, #tpu.memory_space<vmem>> -> memref<1x200x64xf32, #tpu.memory_space<vmem>>
    %dma_wait3A_311 = tpu.memref_squeeze %dma_wait3A_310 : memref<1x200x64xf32, #tpu.memory_space<vmem>> -> memref<200x64xf32, #tpu.memory_space<vmem>>
    tpu.wait_dma2 semaphore(%arg12 : memref<!tpu.dma_semaphore, #tpu.memory_space<semaphore_mem>>) src(%dma_wait3A_311 : memref<200x64xf32, #tpu.memory_space<vmem>>) dst(%dma_wait3A_307 : memref<200x64xf32, #tpu.memory_space<hbm>>)
    %dma_wait3A_312 = arith.constant 126 : i32
    %dma_wait3A_313 = arith.constant 0 : i32
    %dma_wait3A_314 = arith.constant 0 : i32
    %dma_wait3A_315 = arith.constant 0 : i32
    %dma_wait3A_316 = tpu.memref_slice %arg6[%dma_wait3A_313, %dma_wait3A_314, %dma_wait3A_315] : memref<3x200x64xf32, #tpu.memory_space<vmem>> -> memref<1x128x64xf32, #tpu.memory_space<vmem>>
    %dma_wait3A_317 = tpu.memref_squeeze %dma_wait3A_316 : memref<1x128x64xf32, #tpu.memory_space<vmem>> -> memref<128x64xf32, #tpu.memory_space<vmem>>
    %dma_wait3A_318 = arith.constant 0 : i32
    %dma_wait3A_319 = tpu.memref_slice %arg5[%dma_wait3A_312, %dma_wait3A_318] : memref<128x200xi32, #tpu.memory_space<vmem>> -> memref<1x128xi32, #tpu.memory_space<vmem>>
    %dma_wait3A_320 = tpu.memref_squeeze %dma_wait3A_319 : memref<1x128xi32, #tpu.memory_space<vmem>> -> memref<128xi32, #tpu.memory_space<vmem>>
    %dma_wait3A_321 = arith.constant 0 : i32
    %dma_wait3A_322 = arith.constant 0 : i32
    %dma_wait3A_323 = tpu.memref_slice %arg2[%dma_wait3A_321, %dma_wait3A_322] : memref<1000000x64xf32, #tpu.memory_space<hbm>> -> memref<1000000x64xf32, #tpu.memory_space<hbm>>
    tpu.wait_indirect_dma semaphore(%arg7 : memref<!tpu.dma_semaphore, #tpu.memory_space<semaphore_mem>>) src(%dma_wait3A_323 : memref<1000000x64xf32, #tpu.memory_space<hbm>>) dst(%dma_wait3A_317 : memref<128x64xf32, #tpu.memory_space<vmem>>)
    %dma_wait3A_324 = arith.constant 126 : i32
    %dma_wait3A_325 = arith.constant 0 : i32
    %dma_wait3A_326 = arith.constant 128 : i32
    %dma_wait3A_327 = arith.constant 0 : i32
    %dma_wait3A_328 = tpu.memref_slice %arg6[%dma_wait3A_325, %dma_wait3A_326, %dma_wait3A_327] : memref<3x200x64xf32, #tpu.memory_space<vmem>> -> memref<1x72x64xf32, #tpu.memory_space<vmem>>
    %dma_wait3A_329 = tpu.memref_squeeze %dma_wait3A_328 : memref<1x72x64xf32, #tpu.memory_space<vmem>> -> memref<72x64xf32, #tpu.memory_space<vmem>>
    %dma_wait3A_330 = arith.constant 128 : i32
    %dma_wait3A_331 = tpu.memref_slice %arg5[%dma_wait3A_324, %dma_wait3A_330] : memref<128x200xi32, #tpu.memory_space<vmem>> -> memref<1x72xi32, #tpu.memory_space<vmem>>
    %dma_wait3A_332 = tpu.memref_squeeze %dma_wait3A_331 : memref<1x72xi32, #tpu.memory_space<vmem>> -> memref<72xi32, #tpu.memory_space<vmem>>
    %dma_wait3A_333 = arith.constant 0 : i32
    %dma_wait3A_334 = arith.constant 0 : i32
    %dma_wait3A_335 = tpu.memref_slice %arg2[%dma_wait3A_333, %dma_wait3A_334] : memref<1000000x64xf32, #tpu.memory_space<hbm>> -> memref<1000000x64xf32, #tpu.memory_space<hbm>>
    tpu.wait_indirect_dma semaphore(%arg7 : memref<!tpu.dma_semaphore, #tpu.memory_space<semaphore_mem>>) src(%dma_wait3A_335 : memref<1000000x64xf32, #tpu.memory_space<hbm>>) dst(%dma_wait3A_329 : memref<72x64xf32, #tpu.memory_space<vmem>>)
    %add3A_336 = arith.constant 126 : i32
    %add3A_337 = arith.addi %mul3A_2, %add3A_336 : i32
    %dma_start3A_338 = arith.constant 0 : i32
    %dma_start3A_339 = arith.constant 0 : i32
    %dma_start3A_340 = arith.constant 0 : i32
    %dma_start3A_341 = tpu.memref_slice %arg6[%dma_start3A_338, %dma_start3A_339, %dma_start3A_340] : memref<3x200x64xf32, #tpu.memory_space<vmem>> -> memref<1x200x64xf32, #tpu.memory_space<vmem>>
    %dma_start3A_342 = tpu.memref_squeeze %dma_start3A_341 : memref<1x200x64xf32, #tpu.memory_space<vmem>> -> memref<200x64xf32, #tpu.memory_space<vmem>>
    %dma_start3A_343 = arith.constant 0 : i32
    %dma_start3A_344 = arith.constant 0 : i32
    %dma_start3A_345 = tpu.memref_slice %arg4[%add3A_337, %dma_start3A_343, %dma_start3A_344] : memref<4096x200x128xf32, #tpu.memory_space<hbm>> -> memref<1x200x64xf32, #tpu.memory_space<hbm>>
    %dma_start3A_346 = tpu.memref_squeeze %dma_start3A_345 : memref<1x200x64xf32, #tpu.memory_space<hbm>> -> memref<200x64xf32, #tpu.memory_space<hbm>>
    %dma_start3A_347 = arith.constant 0 : i32
    %dma_start3A_348 = arith.constant 0 : i32
    %dma_start3A_349 = tpu.memref_slice %arg4[%add3A_337, %dma_start3A_347, %dma_start3A_348] : memref<4096x200x128xf32, #tpu.memory_space<hbm>> -> memref<1x200x64xf32, #tpu.memory_space<hbm>>
    %dma_start3A_350 = tpu.memref_squeeze %dma_start3A_349 : memref<1x200x64xf32, #tpu.memory_space<hbm>> -> memref<200x64xf32, #tpu.memory_space<hbm>>
    %dma_start3A_351 = arith.constant 0 : i32
    %dma_start3A_352 = arith.constant 0 : i32
    %dma_start3A_353 = tpu.memref_slice %arg6[%dma_start3A_338, %dma_start3A_351, %dma_start3A_352] : memref<3x200x64xf32, #tpu.memory_space<vmem>> -> memref<1x200x64xf32, #tpu.memory_space<vmem>>
    %dma_start3A_354 = tpu.memref_squeeze %dma_start3A_353 : memref<1x200x64xf32, #tpu.memory_space<vmem>> -> memref<200x64xf32, #tpu.memory_space<vmem>>
    tpu.enqueue_dma source(%dma_start3A_354 : memref<200x64xf32, #tpu.memory_space<vmem>>) target(%dma_start3A_350 : memref<200x64xf32, #tpu.memory_space<hbm>>) target_semaphore(%arg10 : memref<!tpu.dma_semaphore, #tpu.memory_space<semaphore_mem>>)
    %add3A_355 = arith.constant 126 : i32
    %add3A_356 = arith.addi %mul3A_2, %add3A_355 : i32
    %dma_wait3A_357 = arith.constant 0 : i32
    %dma_wait3A_358 = arith.constant 0 : i32
    %dma_wait3A_359 = arith.constant 0 : i32
    %dma_wait3A_360 = tpu.memref_slice %arg6[%dma_wait3A_357, %dma_wait3A_358, %dma_wait3A_359] : memref<3x200x64xf32, #tpu.memory_space<vmem>> -> memref<1x200x64xf32, #tpu.memory_space<vmem>>
    %dma_wait3A_361 = tpu.memref_squeeze %dma_wait3A_360 : memref<1x200x64xf32, #tpu.memory_space<vmem>> -> memref<200x64xf32, #tpu.memory_space<vmem>>
    %dma_wait3A_362 = arith.constant 0 : i32
    %dma_wait3A_363 = arith.constant 0 : i32
    %dma_wait3A_364 = tpu.memref_slice %arg4[%add3A_356, %dma_wait3A_362, %dma_wait3A_363] : memref<4096x200x128xf32, #tpu.memory_space<hbm>> -> memref<1x200x64xf32, #tpu.memory_space<hbm>>
    %dma_wait3A_365 = tpu.memref_squeeze %dma_wait3A_364 : memref<1x200x64xf32, #tpu.memory_space<hbm>> -> memref<200x64xf32, #tpu.memory_space<hbm>>
    %dma_wait3A_366 = arith.constant 0 : i32
    %dma_wait3A_367 = arith.constant 0 : i32
    %dma_wait3A_368 = tpu.memref_slice %arg4[%add3A_356, %dma_wait3A_366, %dma_wait3A_367] : memref<4096x200x128xf32, #tpu.memory_space<hbm>> -> memref<1x200x64xf32, #tpu.memory_space<hbm>>
    %dma_wait3A_369 = tpu.memref_squeeze %dma_wait3A_368 : memref<1x200x64xf32, #tpu.memory_space<hbm>> -> memref<200x64xf32, #tpu.memory_space<hbm>>
    %dma_wait3A_370 = arith.constant 0 : i32
    %dma_wait3A_371 = arith.constant 0 : i32
    %dma_wait3A_372 = tpu.memref_slice %arg6[%dma_wait3A_357, %dma_wait3A_370, %dma_wait3A_371] : memref<3x200x64xf32, #tpu.memory_space<vmem>> -> memref<1x200x64xf32, #tpu.memory_space<vmem>>
    %dma_wait3A_373 = tpu.memref_squeeze %dma_wait3A_372 : memref<1x200x64xf32, #tpu.memory_space<vmem>> -> memref<200x64xf32, #tpu.memory_space<vmem>>
    tpu.wait_dma2 semaphore(%arg10 : memref<!tpu.dma_semaphore, #tpu.memory_space<semaphore_mem>>) src(%dma_wait3A_373 : memref<200x64xf32, #tpu.memory_space<vmem>>) dst(%dma_wait3A_369 : memref<200x64xf32, #tpu.memory_space<hbm>>)
    %dma_wait3A_374 = arith.constant 127 : i32
    %dma_wait3A_375 = arith.constant 1 : i32
    %dma_wait3A_376 = arith.constant 0 : i32
    %dma_wait3A_377 = arith.constant 0 : i32
    %dma_wait3A_378 = tpu.memref_slice %arg6[%dma_wait3A_375, %dma_wait3A_376, %dma_wait3A_377] : memref<3x200x64xf32, #tpu.memory_space<vmem>> -> memref<1x128x64xf32, #tpu.memory_space<vmem>>
    %dma_wait3A_379 = tpu.memref_squeeze %dma_wait3A_378 : memref<1x128x64xf32, #tpu.memory_space<vmem>> -> memref<128x64xf32, #tpu.memory_space<vmem>>
    %dma_wait3A_380 = arith.constant 0 : i32
    %dma_wait3A_381 = tpu.memref_slice %arg5[%dma_wait3A_374, %dma_wait3A_380] : memref<128x200xi32, #tpu.memory_space<vmem>> -> memref<1x128xi32, #tpu.memory_space<vmem>>
    %dma_wait3A_382 = tpu.memref_squeeze %dma_wait3A_381 : memref<1x128xi32, #tpu.memory_space<vmem>> -> memref<128xi32, #tpu.memory_space<vmem>>
    %dma_wait3A_383 = arith.constant 0 : i32
    %dma_wait3A_384 = arith.constant 0 : i32
    %dma_wait3A_385 = tpu.memref_slice %arg2[%dma_wait3A_383, %dma_wait3A_384] : memref<1000000x64xf32, #tpu.memory_space<hbm>> -> memref<1000000x64xf32, #tpu.memory_space<hbm>>
    tpu.wait_indirect_dma semaphore(%arg8 : memref<!tpu.dma_semaphore, #tpu.memory_space<semaphore_mem>>) src(%dma_wait3A_385 : memref<1000000x64xf32, #tpu.memory_space<hbm>>) dst(%dma_wait3A_379 : memref<128x64xf32, #tpu.memory_space<vmem>>)
    %dma_wait3A_386 = arith.constant 127 : i32
    %dma_wait3A_387 = arith.constant 1 : i32
    %dma_wait3A_388 = arith.constant 128 : i32
    %dma_wait3A_389 = arith.constant 0 : i32
    %dma_wait3A_390 = tpu.memref_slice %arg6[%dma_wait3A_387, %dma_wait3A_388, %dma_wait3A_389] : memref<3x200x64xf32, #tpu.memory_space<vmem>> -> memref<1x72x64xf32, #tpu.memory_space<vmem>>
    %dma_wait3A_391 = tpu.memref_squeeze %dma_wait3A_390 : memref<1x72x64xf32, #tpu.memory_space<vmem>> -> memref<72x64xf32, #tpu.memory_space<vmem>>
    %dma_wait3A_392 = arith.constant 128 : i32
    %dma_wait3A_393 = tpu.memref_slice %arg5[%dma_wait3A_386, %dma_wait3A_392] : memref<128x200xi32, #tpu.memory_space<vmem>> -> memref<1x72xi32, #tpu.memory_space<vmem>>
    %dma_wait3A_394 = tpu.memref_squeeze %dma_wait3A_393 : memref<1x72xi32, #tpu.memory_space<vmem>> -> memref<72xi32, #tpu.memory_space<vmem>>
    %dma_wait3A_395 = arith.constant 0 : i32
    %dma_wait3A_396 = arith.constant 0 : i32
    %dma_wait3A_397 = tpu.memref_slice %arg2[%dma_wait3A_395, %dma_wait3A_396] : memref<1000000x64xf32, #tpu.memory_space<hbm>> -> memref<1000000x64xf32, #tpu.memory_space<hbm>>
    tpu.wait_indirect_dma semaphore(%arg8 : memref<!tpu.dma_semaphore, #tpu.memory_space<semaphore_mem>>) src(%dma_wait3A_397 : memref<1000000x64xf32, #tpu.memory_space<hbm>>) dst(%dma_wait3A_391 : memref<72x64xf32, #tpu.memory_space<vmem>>)
    %add3A_398 = arith.constant 127 : i32
    %add3A_399 = arith.addi %mul3A_2, %add3A_398 : i32
    %dma_start3A_400 = arith.constant 1 : i32
    %dma_start3A_401 = arith.constant 0 : i32
    %dma_start3A_402 = arith.constant 0 : i32
    %dma_start3A_403 = tpu.memref_slice %arg6[%dma_start3A_400, %dma_start3A_401, %dma_start3A_402] : memref<3x200x64xf32, #tpu.memory_space<vmem>> -> memref<1x200x64xf32, #tpu.memory_space<vmem>>
    %dma_start3A_404 = tpu.memref_squeeze %dma_start3A_403 : memref<1x200x64xf32, #tpu.memory_space<vmem>> -> memref<200x64xf32, #tpu.memory_space<vmem>>
    %dma_start3A_405 = arith.constant 0 : i32
    %dma_start3A_406 = arith.constant 0 : i32
    %dma_start3A_407 = tpu.memref_slice %arg4[%add3A_399, %dma_start3A_405, %dma_start3A_406] : memref<4096x200x128xf32, #tpu.memory_space<hbm>> -> memref<1x200x64xf32, #tpu.memory_space<hbm>>
    %dma_start3A_408 = tpu.memref_squeeze %dma_start3A_407 : memref<1x200x64xf32, #tpu.memory_space<hbm>> -> memref<200x64xf32, #tpu.memory_space<hbm>>
    %dma_start3A_409 = arith.constant 0 : i32
    %dma_start3A_410 = arith.constant 0 : i32
    %dma_start3A_411 = tpu.memref_slice %arg4[%add3A_399, %dma_start3A_409, %dma_start3A_410] : memref<4096x200x128xf32, #tpu.memory_space<hbm>> -> memref<1x200x64xf32, #tpu.memory_space<hbm>>
    %dma_start3A_412 = tpu.memref_squeeze %dma_start3A_411 : memref<1x200x64xf32, #tpu.memory_space<hbm>> -> memref<200x64xf32, #tpu.memory_space<hbm>>
    %dma_start3A_413 = arith.constant 0 : i32
    %dma_start3A_414 = arith.constant 0 : i32
    %dma_start3A_415 = tpu.memref_slice %arg6[%dma_start3A_400, %dma_start3A_413, %dma_start3A_414] : memref<3x200x64xf32, #tpu.memory_space<vmem>> -> memref<1x200x64xf32, #tpu.memory_space<vmem>>
    %dma_start3A_416 = tpu.memref_squeeze %dma_start3A_415 : memref<1x200x64xf32, #tpu.memory_space<vmem>> -> memref<200x64xf32, #tpu.memory_space<vmem>>
    tpu.enqueue_dma source(%dma_start3A_416 : memref<200x64xf32, #tpu.memory_space<vmem>>) target(%dma_start3A_412 : memref<200x64xf32, #tpu.memory_space<hbm>>) target_semaphore(%arg11 : memref<!tpu.dma_semaphore, #tpu.memory_space<semaphore_mem>>)
    %add3A_417 = arith.constant 127 : i32
    %add3A_418 = arith.addi %mul3A_2, %add3A_417 : i32
    %dma_wait3A_419 = arith.constant 1 : i32
    %dma_wait3A_420 = arith.constant 0 : i32
    %dma_wait3A_421 = arith.constant 0 : i32
    %dma_wait3A_422 = tpu.memref_slice %arg6[%dma_wait3A_419, %dma_wait3A_420, %dma_wait3A_421] : memref<3x200x64xf32, #tpu.memory_space<vmem>> -> memref<1x200x64xf32, #tpu.memory_space<vmem>>
    %dma_wait3A_423 = tpu.memref_squeeze %dma_wait3A_422 : memref<1x200x64xf32, #tpu.memory_space<vmem>> -> memref<200x64xf32, #tpu.memory_space<vmem>>
    %dma_wait3A_424 = arith.constant 0 : i32
    %dma_wait3A_425 = arith.constant 0 : i32
    %dma_wait3A_426 = tpu.memref_slice %arg4[%add3A_418, %dma_wait3A_424, %dma_wait3A_425] : memref<4096x200x128xf32, #tpu.memory_space<hbm>> -> memref<1x200x64xf32, #tpu.memory_space<hbm>>
    %dma_wait3A_427 = tpu.memref_squeeze %dma_wait3A_426 : memref<1x200x64xf32, #tpu.memory_space<hbm>> -> memref<200x64xf32, #tpu.memory_space<hbm>>
    %dma_wait3A_428 = arith.constant 0 : i32
    %dma_wait3A_429 = arith.constant 0 : i32
    %dma_wait3A_430 = tpu.memref_slice %arg4[%add3A_418, %dma_wait3A_428, %dma_wait3A_429] : memref<4096x200x128xf32, #tpu.memory_space<hbm>> -> memref<1x200x64xf32, #tpu.memory_space<hbm>>
    %dma_wait3A_431 = tpu.memref_squeeze %dma_wait3A_430 : memref<1x200x64xf32, #tpu.memory_space<hbm>> -> memref<200x64xf32, #tpu.memory_space<hbm>>
    %dma_wait3A_432 = arith.constant 0 : i32
    %dma_wait3A_433 = arith.constant 0 : i32
    %dma_wait3A_434 = tpu.memref_slice %arg6[%dma_wait3A_419, %dma_wait3A_432, %dma_wait3A_433] : memref<3x200x64xf32, #tpu.memory_space<vmem>> -> memref<1x200x64xf32, #tpu.memory_space<vmem>>
    %dma_wait3A_435 = tpu.memref_squeeze %dma_wait3A_434 : memref<1x200x64xf32, #tpu.memory_space<vmem>> -> memref<200x64xf32, #tpu.memory_space<vmem>>
    tpu.wait_dma2 semaphore(%arg11 : memref<!tpu.dma_semaphore, #tpu.memory_space<semaphore_mem>>) src(%dma_wait3A_435 : memref<200x64xf32, #tpu.memory_space<vmem>>) dst(%dma_wait3A_431 : memref<200x64xf32, #tpu.memory_space<hbm>>)
    return
  }
}

</mosaic_0001>

<sc_bundles>
// kernel: kernel.3.cloned.1.call-start
scs
__scs_entry_jumppad:
0x0: {  	(pc) =	sbr.rel $0x88, $3  }
0x1: {  	(tag) =	ssettag $0x0;
	lr =	simm.s32 $0x1  }
0x2: {  	[smem:$0x3F9F] =	sst lr;
	_ =	strace $0xD0000000  }
0x3: {  	_ = 	snop  }
0x4: {  	_ = 	snop  }
0x5: {  	_ = 	snop  }
0x6: {  	_ = 	snop  }
0x7: {  	_ = 	snop  }
__scs_overlays_trampoline_lowered:
0x8: {  	[smem:$0x3FAE] =	sst s0  }
0x9: {  	[smem:$0x3FAF] =	sst s1  }
0xa: {  	[smem:$0x3FB0] =	sst s2  }
0xb: {  	[smem:$0x3FB1] =	sst s3  }
0xc: {  	[smem:$0x3FB2] =	sst s4  }
0xd: {  	[smem:$0x3FB3] =	sst s5  }
0xe: {  	[smem:$0x3FB4] =	sst s6  }
0xf: {  	[smem:$0x3FB5] =	sst s7  }
0x10: {  	[smem:$0x3FB6] =	sst s8  }
0x11: {  	[smem:$0x3FB7] =	sst s9;
	s0 =	simm.s32 @!p0 $0x0  }
0x12: {  	s1 =	sld [smem:$0x3F9D];
	s0 =	simm.s32 @p0 $0x1  }
0x13: {  	[smem:$0x3FB8] =	sst s0;
	s0 =	simm.s32 @!p1 $0x0  }
0x14: {  	s2 =	sld [smem:$0x3F9C];
	s0 =	simm.s32 @p1 $0x1  }
0x15: {  	[smem:$0x3FB9] =	sst s0;
	s0 =	simm.s32 @!p2 $0x0  }
0x16: {  	s3 =	sld [smem:$0x3FDB];
	s0 =	simm.s32 @p2 $0x1  }
0x17: {  	s4 =	simm.s32 $0x1BF5;
	[smem:$0x3FBB] =	sst s0  }
0x18: {  	s0 =	sld [smem:$0x3F9E];
	_ =	swait.ge [sflag:s4], $0x0  }
0x19: {  	s7 =	sld [smem:$0x3F9F]  }
0x1a: {  	s8 =	sadd.s32 $0xFFFFE003, lr  }
0x1b: {  	s9 =	sadd.s32 $0xFFFFFEF7, lr;
	s5 =	simm.s32 $0xFFFFFFFF;
	p2 =	slt.u32 s8, $0xFFFFF086  }
0x1c: {  	p1 =	slt.u32 s9, $0xF7A;
	s5 =	simm.s32 @!p2 $0x0  }
0x1d: {  	s5 =	simm.s32 @p1 $0x1;
	p0 =	seq.s32 s7, s2  }
0x1e: {  	s7 =	smul.u32 @!p0 $0xF7A, s2;
	p2 =	seq.s32 @!p0 s5, $0x0  }
0x1f: {  	s9 =	smul.u32 $0xF7A, s1;
	s8 =	simm.s32 @!p0 $0x1BF5;
	p2 =	por !p2, p0  }
0x20: {  	[sflag:s8] =	ssyncset.s32 @!p0 $0xFFFFF086;
	s6 =	sadd.s32 @!p0 s3, s7;
	s7 =	simm.s32 @!p0 $0x108  }
0x21: {  	s3 =	sadd.s32 s3, s9;
	s6 =	sadd.s32 @!p0 $0x88, s6;
	s7 =	simm.s32 @p2 $0x1082  }
0x22: {  	[simem:s7], [sflag:s8] =	dma.local @!p0 [hbm:s6], $0xF7A  }
0x23: {  	s9 =	sor.u32 $0xD0000000, s2;
	s6 =	simm.s32 $0x108;
	_ =	swait.ge @!p0 [sflag:s8], $0x0  }
0x24: {  	s3 =	sadd.s32 $0x88, s3;
	s6 =	simm.s32 @!p1 $0x1082;
	[sflag:s4] =	ssyncset.s32 $0xFFFFF086  }
0x25: {  	[simem:s6], [sflag:s4] =	dma.local [hbm:s3], $0xF7A  }
0x26: {  	[smem:$0x3F9F] =	sst s1;
	(tag) =	ssettag s2;
	_ =	strace s9  }
0x27: {  	s1 =	sld [smem:$0x3FAF]  }
0x28: {  	s2 =	sld [smem:$0x3FB0]  }
0x29: {  	s4 =	sld [smem:$0x3FB2]  }
0x2a: {  	p0 =	seq.s32 s5, $0x0;
	s5 =	sld [smem:$0x3FB3]  }
0x2b: {  	s6 =	sld [smem:$0x3FB4]  }
0x2c: {  	s7 =	sld [smem:$0x3FB5]  }
0x2d: {  	s3 =	simm.s32 $0x108;
	s8 =	sld [smem:$0x3FB6]  }
0x2e: {  	s3 =	simm.s32 @!p0 $0x1082;
	s9 =	sld [smem:$0x3FB7]  }
0x2f: {  	lr =	sadd.s32 s0, s3;
	s0 =	sld [smem:$0x3FAE]  }
0x30: {  	s3 =	sld [smem:$0x3FB1]  }
0x31: {  	[smem:$0x3FBA] =	sst s10  }
0x32: {  	s10 =	sld [smem:$0x3FB8];
	_ =	sdelay $0x3  }
0x33: {  	p0 =	seq.s32 s10, $0x1;
	s10 =	sld [smem:$0x3FBA];
	_ =	sdelay $0x3  }
0x34: {  	[smem:$0x3FBA] =	sst s10  }
0x35: {  	s10 =	sld [smem:$0x3FB9];
	_ =	sdelay $0x3  }
0x36: {  	p1 =	seq.s32 s10, $0x1;
	s10 =	sld [smem:$0x3FBA];
	_ =	sdelay $0x3  }
0x37: {  	[smem:$0x3FBA] =	sst s10  }
0x38: {  	s10 =	sld [smem:$0x3FBB]  }
0x39: {  	_ = 	snop;
	(pc) =	sbr.ind lr, $3  }
0x3a: {  	_ = 	snop  }
0x3b: {  	_ = 	snop  }
0x3c: {  	p2 =	seq.s32 s10, $0x1;
	s10 =	sld [smem:$0x3FBA]  }
0x3d: {  	_ =	shalt  }
0x3e: {  	_ =	shalt  }
0x3f: {  	_ =	shalt  }
0x40: {  	_ =	shalt  }
0x41: {  	_ =	shalt  }
0x42: {  	_ =	shalt  }
0x43: {  	_ =	shalt  }
0x44: {  	_ =	shalt  }
0x45: {  	_ =	shalt  }
0x46: {  	_ =	shalt  }
0x47: {  	_ =	shalt  }
0x48: {  	_ =	shalt  }
0x49: {  	_ =	shalt  }
0x4a: {  	_ =	shalt  }
0x4b: {  	_ =	shalt  }
0x4c: {  	_ =	shalt  }
0x4d: {  	_ =	shalt  }
0x4e: {  	_ =	shalt  }
0x4f: {  	_ =	shalt  }
0x50: {  	_ =	shalt  }
0x51: {  	_ =	shalt  }
0x52: {  	_ =	shalt  }
0x53: {  	_ =	shalt  }
0x54: {  	_ =	shalt  }
0x55: {  	_ =	shalt  }
0x56: {  	_ =	shalt  }
0x57: {  	_ =	shalt  }
0x58: {  	_ =	shalt  }
0x59: {  	_ =	shalt  }
0x5a: {  	_ =	shalt  }
0x5b: {  	_ =	shalt  }
0x5c: {  	_ =	shalt  }
0x5d: {  	_ =	shalt  }
0x5e: {  	_ =	shalt  }
0x5f: {  	_ =	shalt  }
0x60: {  	_ =	shalt  }
0x61: {  	_ =	shalt  }
0x62: {  	_ =	shalt  }
0x63: {  	_ =	shalt  }
0x64: {  	_ =	shalt  }
0x65: {  	_ =	shalt  }
0x66: {  	_ =	shalt  }
0x67: {  	_ =	shalt  }
0x68: {  	_ =	shalt  }
0x69: {  	_ =	shalt  }
0x6a: {  	_ =	shalt  }
0x6b: {  	_ =	shalt  }
0x6c: {  	_ =	shalt  }
0x6d: {  	_ =	shalt  }
0x6e: {  	_ =	shalt  }
0x6f: {  	_ =	shalt  }
0x70: {  	_ =	shalt  }
0x71: {  	_ =	shalt  }
0x72: {  	_ =	shalt  }
0x73: {  	_ =	shalt  }
0x74: {  	_ =	shalt  }
0x75: {  	_ =	shalt  }
0x76: {  	_ =	shalt  }
0x77: {  	_ =	shalt  }
0x78: {  	_ =	shalt  }
0x79: {  	_ =	shalt  }
0x7a: {  	_ =	shalt  }
0x7b: {  	_ =	shalt  }
0x7c: {  	_ =	shalt  }
0x7d: {  	_ =	shalt  }
0x7e: {  	_ =	shalt  }
0x7f: {  	_ =	shalt  }
0x80: {  	_ =	shalt  }
0x81: {  	_ =	shalt  }
0x82: {  	_ =	shalt  }
0x83: {  	_ =	shalt  }
0x84: {  	_ =	shalt  }
0x85: {  	_ =	shalt  }
0x86: {  	_ =	shalt  }
0x87: {  	_ =	shalt  }
.Lfunc_end0:
.L_simem_size_0:
called_computation.1_lowered:
.L_overlay_start_0:
0x88: {  	s2 =	sld [smem:$0x3FD9]  }
0x89: {  	s3 =	sld [smem:$0x3FFE];
	_ =	sdelay $0x1  }
0x8a: {  	s1 =	srdreg.scid  }
0x8b: {  	s0 =	sand.u32 $0x1, s1  }
0x8c: {  	s17 =	sshll.u32 s0, $0xA;
	s2 =	sadd.s32 s3, s2  }
0x8d: {  	s2 =	sadd.s32 s2, s17  }
0x8e: {  	[smem:$0x3FC6] =	sst s2  }
0x8f: {  	_ = 	snop  }
0x90: {  	s2 =	sld [smem:$0x3FD0];
	(tm) =	ssettm $0x1  }
0x91: {  	s18 =	sld [smem:$0x3FFB];
	_ =	sdelay $0x3  }
0x92: {  	_ =	strace s18  }
0x93: {  	s3 =	sld [smem:$0x3FFC];
	_ =	sdelay $0x3  }
0x94: {  	_ =	strace s3  }
0x95: {  	s3 =	sld [smem:$0x3FFD];
	_ =	sdelay $0x3  }
0x96: {  	_ =	strace s3  }
0x97: {  	_ =	strace $0x8FFFFFFF  }
0x98: {  	s19 =	sld [smem:$0x3FDB];
	_ =	sdelay $0x1  }
0x99: {  	s4 =	simm.s32 $_scs_section_size  }
0x9a: {  	s5 =	simm.s32 $_size__tile_overlayer_lowered;
	s6 =	simm.s32 $_tile_overlayer_lowered  }
0x9b: {  	s22 =	simm.s32 $0x1BFF;
	s21 =	sshll.u32 s6, $0x1;
	s3 =	sadd.s32 s4, s19  }
0x9c: {  	s7 =	simm.s32 $0x0;
	s20 =	sshll.u32 s5, $0x1;
	s5 =	sadd.s32 s21, s3  }
0x9d: {  	[timem:s7], [sflag:s22] =	dma.local [hbm:s5], s20  }
0x9e: {  	_ =	swait.ge [sflag:s22], s20  }
0x9f: {  	s4 =	ssub.s32 $0x0, s20;
	[sflag:s22] =	ssyncset.done $0x0  }
0xa0: {  	[sflag:s22] =	ssyncadd.s32 s4;
	_ =	sdelay $0x1  }
0xa1: {  	s23 =	simm.s32 $0x1B8B  }
0xa2: {  	_ =	swait.ge [sflag:s23], $0x1  }
0xa3: {  	[sflag:s23] =	ssyncset.done $0x0  }
0xa4: {  	s25 =	simm.s32 $0x1B8E;
	s24 =	sld [smem:$0x3FFE];
	[sflag:s23] =	ssyncadd.s32 $0xFFFFFFFF  }
0xa5: {  	s26 =	simm.s32 $execute0_lowered;
	[smem:$0x3FD2] =	sst s25  }
0xa6: {  	s5 =	sshll.u32 s26, $0x1;
	_ =	strace $0x80000046;
	[dreg:$0x1] =	wrdreg $0xFFFFFFFF  }
0xa7: {  	s28 =	simm.s32 $_size_execute0_lowered;
	s3 =	sadd.s32 s3, s5;
	[dreg:$0x0] =	wrdreg $0x0  }
0xa8: {  	s5 =	sshll.u32 s28, $0x1;
	[dreg:$0x2] =	wrdreg s3  }
0xa9: {  	[dreg:$0x3] =	wrdreg s5  }
0xaa: {  	[dreg:$0x4] =	wrdreg $0xC0  }
0xab: {  	_ =	task [dreg:s7], $0x5FFFF  }
0xac: {  	[dreg:$0x1] =	wrdreg $0xFFFFFFFF  }
0xad: {  	[dreg:$0x0] =	wrdreg $0x60  }
0xae: {  	[dreg:$0x2] =	wrdreg s24  }
0xaf: {  	[dreg:$0x3] =	wrdreg s2  }
0xb0: {  	[dreg:$0x4] =	wrdreg $0x9  }
0xb1: {  	_ =	task.clear_ibuf [dreg:s7], $0x5FFFF;
	_ =	strace $0x90000046  }
0xb2: {  	s29 =	simm.s32 $0x9;
	_ =	strace $0x80000048  }
0xb3: {  	_ =	swait.ge [sflag:s29], $0x1  }
0xb4: {  	[sflag:s29] =	ssyncadd.s32 $0xFFFFFFFF  }
0xb5: {  	_ =	strace $0x90000048  }
0xb6: {  	_ =	sfence  }
0xb7: {  	s30 =	sld [smem:$0x0];
	_ =	sdelay $0x2  }
0xb8: {  	s31 =	sshll.u32 s1, $0xD;
	s1 =	sshrl.u32 s1, $0x2  }
0xb9: {  	s3 =	sand.u32 $0x4000, s31;
	s1 =	sadd.s32 s1, s30  }
0xba: {  	s0 =	sor.u32 s3, s0;
	s1 =	sshll.u32 s1, $0x11  }
0xbb: {  	s0 =	sor.u32 s1, s0  }
0xbc: {  	s0 =	sadd.s32 $0x8F2B, s0  }
0xbd: {  	[sflag:s0] =	ssyncadd.remote.s32 $0x1  }
0xbe: {  	_ =	sfence.sel $0xFFFF  }
0xbf: {  	[dreg:$0x0] =	wrdreg $0xFFFFFFFF;
	(pc) =	sbr.abs _section_cstart, $3  }
0xc0: {  	[dreg:$0x1] =	wrdreg $0xFFFFFFFF  }
0xc1: {  	_ =	task.clear_ibuf [dreg:s7], $0x2FFFF;
	_ =	strace $0x9FFFFFFF  }
0xc2: {  	(tm) =	ssettm $0x7FFFFFFF  }
0xc3: {  	_ =	shalt  }
tec
execute0_lowered:
.L_overlay_start_1:
0x0: {  	(tag) =	ssettag $0x1  }
0x1: {  	s0 =	rddreg [dreg:$0x0]  }
0x2: {  	s1 =	rddreg [dreg:$0x1]  }
0x3: {  	s2 =	srdreg.scid;
	s11 =	stileid.u32;
	s12 =	simm.s32 $0x7  }
0x4: {  	s13 =	simm.s32 $0x80;
	s14 =	simm.s32 $0x6400;
	s15 =	simm.s32 $0x48  }
0x5: {  	s16 =	simm.s32 $0x8400;
	s18 =	simm.s32 $0x9600;
	s20 =	simm.s32 $0xB600  }
0x6: {  	s22 =	simm.s32 $0xC800;
	s24 =	simm.s32 $0xE800;
	s28 =	simm.s32 $0x4  }
0x7: {  	s31 =	simm.s32 $0x2;
	s19 =	simm.s32 $0x3;
	s21 =	simm.s32 $0x6  }
0x8: {  	s23 =	simm.s32 $0x0;
	s7 =	sand.u32 $0x1, s2;
	s2 =	simm.s32 $0x0  }
0x9: {  	s3 =	sshll.u32 s11, $0x8;
	s26 =	smul.u32 $0xC8000, s11;
	s4 =	sshll.u32 s7, $0x7  }
0xa: {  	[smem:$0x7FF] =	sst s2;
	s29 =	smul.u32 $0x64000, s7;
	s4 =	sor.u32 s4, s3  }
0xb: {  	s5 =	ssub.s32 $0x2, s7;
	_ =	strace $0x80000047;
	s6 =	smul.u32 $0x19, s4  }
0xc: {  	s3 =	sadd.s32 $0xF42E00, s0;
	s8 =	sshrl.u32 s5, $0x1;
	s9 =	smul.u32 $0xC80, s4  }
0xd: {  	s0 =	sadd.s32 $0xA00, s0;
	s10 =	ssub.s32 s5, s8;
	s25 =	smul.u32 $0x6400, s4  }
0xe: {  	s10 =	smax.u32 s10, $0x1;
	s4 =	sadd.s32 s1, s6;
	s5 =	sadd.s32 s0, s9  }
0xf: {  	s8 =	sshrl.u32 s25, $0x3;
	s25 =	simm.s32 $0x1;
	s6 =	sadd.s32 $0xC80, s5  }
0x10: {  	s7 =	sadd.s32 $0x1900, s5;
	s30 =	sadd.s32 s0, s8;
	s0 =	sadd.s32 s26, s0  }
0x11: {  	s26 =	simm.s32 $0x40;
	s8 =	sadd.s32 $0x62700, s30;
	s0 =	sadd.s32 s29, s0  }
0x12: {  	s9 =	sadd.s32 $0x63380, s30;
	s11 =	sadd.s32 $0x2580, s0;
	s0 =	simm.s32 $0x5  }
.LBB2_1:
0x13: {  	[tilespmem:s2], [sflag:$0x7] =	stream.linear.gather [hbm4b:s4+s2], $0x6400, $0x38;
	[tilespmem:$0xFA00] =	vst v63  }
0x14: {  	_ =	swait.ge [sflag:s12], $0x6400  }
0x15: {  	[sflag:s12] =	ssyncset.done $0x0  }
0x16: {  	[sflag:s12] =	ssyncadd.s32 $0xFFFF9C00  }
0x17: {  	[tilespmem:s14], [sflag:$0x1] =	stream.indirect.gather [hbm4b:s3+s13], $0x40, s2, s13, $0xb8;
	[tilespmem:$0xFA00] =	vst v63  }
0x18: {  	_ = 	snop  }
0x19: {  	[tilespmem:s16], [sflag:$0x1] =	stream.indirect.gather [hbm4b:s3+s15], $0x40, s13, s15, $0xb8;
	[tilespmem:$0xFA00] =	vst v63  }
0x1a: {  	s1 =	simm.s32 $0xC8  }
0x1b: {  	[tilespmem:s18], [sflag:$0x2] =	stream.indirect.gather [hbm4b:s3+s13], $0x40, s1, s13, $0xb8;
	[tilespmem:$0xFA00] =	vst v63  }
0x1c: {  	s17 =	simm.s32 $0x148  }
0x1d: {  	[tilespmem:s20], [sflag:$0x2] =	stream.indirect.gather [hbm4b:s3+s15], $0x40, s17, s15, $0xb8;
	[tilespmem:$0xFA00] =	vst v63  }
0x1e: {  	s17 =	simm.s32 $0x190  }
0x1f: {  	[tilespmem:s22], [sflag:$0x3] =	stream.indirect.gather [hbm4b:s3+s13], $0x40, s17, s13, $0xb8;
	[tilespmem:$0xFA00] =	vst v63  }
0x20: {  	s17 =	simm.s32 $0x210  }
0x21: {  	[tilespmem:s24], [sflag:$0x3] =	stream.indirect.gather [hbm4b:s3+s15], $0x40, s17, s15, $0xb8;
	[tilespmem:$0xFA00] =	vst v63  }
0x22: {  	_ =	swait.ge [sflag:s25], $0x2000  }
0x23: {  	[sflag:s25] =	ssyncset.done $0x0  }
0x24: {  	[sflag:s25] =	ssyncadd.s32 $0xFFFFE000  }
0x25: {  	_ =	swait.ge [sflag:s25], $0x1200  }
0x26: {  	[sflag:s25] =	ssyncset.done $0x0  }
0x27: {  	[sflag:s25] =	ssyncadd.s32 $0xFFFFEE00  }
0x28: {  	[hbm4b:s5+s26] =	stream.strided.scatter [tilespmem:s14], [sflag:$0x4], $0x3200, s13, s26, $0x38;
	[tilespmem:$0xFA00] =	vst v63  }
0x29: {  	_ =	swait.ge [sflag:s28], $0x3200  }
0x2a: {  	[sflag:s28] =	ssyncset.done $0x0  }
0x2b: {  	s17 =	simm.s32 $0x258;
	[sflag:s28] =	ssyncadd.s32 $0xFFFFCE00  }
0x2c: {  	[tilespmem:s14], [sflag:$0x1] =	stream.indirect.gather [hbm4b:s3+s13], $0x40, s17, s13, $0xb8;
	[tilespmem:$0xFA00] =	vst v63  }
0x2d: {  	s17 =	simm.s32 $0x2D8  }
0x2e: {  	[tilespmem:s16], [sflag:$0x1] =	stream.indirect.gather [hbm4b:s3+s15], $0x40, s17, s15, $0xb8;
	[tilespmem:$0xFA00] =	vst v63  }
0x2f: {  	_ =	swait.ge [sflag:s31], $0x2000  }
0x30: {  	[sflag:s31] =	ssyncset.done $0x0  }
0x31: {  	[sflag:s31] =	ssyncadd.s32 $0xFFFFE000  }
0x32: {  	_ =	swait.ge [sflag:s31], $0x1200  }
0x33: {  	[sflag:s31] =	ssyncset.done $0x0  }
0x34: {  	[sflag:s31] =	ssyncadd.s32 $0xFFFFEE00  }
0x35: {  	[hbm4b:s6+s26] =	stream.strided.scatter [tilespmem:s18], [sflag:$0x5], $0x3200, s13, s26, $0x38;
	[tilespmem:$0xFA00] =	vst v63  }
0x36: {  	_ =	swait.ge [sflag:s0], $0x3200  }
0x37: {  	[sflag:s0] =	ssyncset.done $0x0  }
0x38: {  	s17 =	simm.s32 $0x320;
	[sflag:s0] =	ssyncadd.s32 $0xFFFFCE00  }
0x39: {  	[tilespmem:s18], [sflag:$0x2] =	stream.indirect.gather [hbm4b:s3+s13], $0x40, s17, s13, $0xb8;
	[tilespmem:$0xFA00] =	vst v63  }
0x3a: {  	s17 =	simm.s32 $0x3A0  }
0x3b: {  	[tilespmem:s20], [sflag:$0x2] =	stream.indirect.gather [hbm4b:s3+s15], $0x40, s17, s15, $0xb8;
	[tilespmem:$0xFA00] =	vst v63  }
0x3c: {  	_ =	swait.ge [sflag:s19], $0x2000  }
0x3d: {  	[sflag:s19] =	ssyncset.done $0x0  }
0x3e: {  	[sflag:s19] =	ssyncadd.s32 $0xFFFFE000  }
0x3f: {  	_ =	swait.ge [sflag:s19], $0x1200  }
0x40: {  	[sflag:s19] =	ssyncset.done $0x0  }
0x41: {  	[sflag:s19] =	ssyncadd.s32 $0xFFFFEE00  }
0x42: {  	[hbm4b:s7+s26] =	stream.strided.scatter [tilespmem:s22], [sflag:$0x6], $0x3200, s13, s26, $0x38;
	[tilespmem:$0xFA00] =	vst v63  }
0x43: {  	_ =	swait.ge [sflag:s21], $0x3200  }
0x44: {  	[sflag:s21] =	ssyncset.done $0x0  }
0x45: {  	s17 =	simm.s32 $0x3E8;
	[sflag:s21] =	ssyncadd.s32 $0xFFFFCE00  }
0x46: {  	[tilespmem:s22], [sflag:$0x3] =	stream.indirect.gather [hbm4b:s3+s13], $0x40, s17, s13, $0xb8;
	[tilespmem:$0xFA00] =	vst v63  }
0x47: {  	s17 =	simm.s32 $0x468  }
0x48: {  	[tilespmem:s24], [sflag:$0x3] =	stream.indirect.gather [hbm4b:s3+s15], $0x40, s17, s15, $0xb8;
	[tilespmem:$0xFA00] =	vst v63  }
0x49: {  	_ =	swait.ge [sflag:s25], $0x2000  }
0x4a: {  	[sflag:s25] =	ssyncset.done $0x0  }
0x4b: {  	[sflag:s25] =	ssyncadd.s32 $0xFFFFE000  }
0x4c: {  	_ =	swait.ge [sflag:s25], $0x1200  }
0x4d: {  	[sflag:s25] =	ssyncset.done $0x0  }
0x4e: {  	[sflag:s25] =	ssyncadd.s32 $0xFFFFEE00  }
0x4f: {  	[hbm4b:s11+s26] =	stream.strided.scatter [tilespmem:s14], [sflag:$0x4], $0x3200, s13, s26, $0x38;
	[tilespmem:$0xFA00] =	vst v63  }
0x50: {  	_ =	swait.ge [sflag:s28], $0x3200  }
0x51: {  	[sflag:s28] =	ssyncset.done $0x0  }
0x52: {  	s17 =	simm.s32 $0x4B0;
	[sflag:s28] =	ssyncadd.s32 $0xFFFFCE00  }
0x53: {  	[tilespmem:s14], [sflag:$0x1] =	stream.indirect.gather [hbm4b:s3+s13], $0x40, s17, s13, $0xb8;
	[tilespmem:$0xFA00] =	vst v63  }
0x54: {  	s17 =	simm.s32 $0x530  }
0x55: {  	[tilespmem:s16], [sflag:$0x1] =	stream.indirect.gather [hbm4b:s3+s15], $0x40, s17, s15, $0xb8;
	[tilespmem:$0xFA00] =	vst v63  }
0x56: {  	_ =	swait.ge [sflag:s31], $0x2000  }
0x57: {  	[sflag:s31] =	ssyncset.done $0x0  }
0x58: {  	[sflag:s31] =	ssyncadd.s32 $0xFFFFE000  }
0x59: {  	_ =	swait.ge [sflag:s31], $0x1200  }
0x5a: {  	[sflag:s31] =	ssyncset.done $0x0  }
0x5b: {  	s17 =	sadd.s32 $0xC80, s11;
	[sflag:s31] =	ssyncadd.s32 $0xFFFFEE00  }
0x5c: {  	[hbm4b:s17+s26] =	stream.strided.scatter [tilespmem:s18], [sflag:$0x5], $0x3200, s13, s26, $0x38;
	[tilespmem:$0xFA00] =	vst v63  }
0x5d: {  	_ =	swait.ge [sflag:s0], $0x3200  }
0x5e: {  	[sflag:s0] =	ssyncset.done $0x0  }
0x5f: {  	s17 =	simm.s32 $0x578;
	[sflag:s0] =	ssyncadd.s32 $0xFFFFCE00  }
0x60: {  	[tilespmem:s18], [sflag:$0x2] =	stream.indirect.gather [hbm4b:s3+s13], $0x40, s17, s13, $0xb8;
	[tilespmem:$0xFA00] =	vst v63  }
0x61: {  	s17 =	simm.s32 $0x5F8  }
0x62: {  	[tilespmem:s20], [sflag:$0x2] =	stream.indirect.gather [hbm4b:s3+s15], $0x40, s17, s15, $0xb8;
	[tilespmem:$0xFA00] =	vst v63  }
0x63: {  	_ =	swait.ge [sflag:s19], $0x2000  }
0x64: {  	[sflag:s19] =	ssyncset.done $0x0  }
0x65: {  	[sflag:s19] =	ssyncadd.s32 $0xFFFFE000  }
0x66: {  	_ =	swait.ge [sflag:s19], $0x1200  }
0x67: {  	s29 =	simm.s32 $0x960;
	[sflag:s19] =	ssyncset.done $0x0  }
0x68: {  	s30 =	sadd.s32 $0x2580, s11;
	s1 =	sadd.s32 $0x1900, s11;
	[sflag:s19] =	ssyncadd.s32 $0xFFFFEE00  }
.LBB2_2:
0x69: {  	[hbm4b:s1+s26] =	stream.strided.scatter [tilespmem:s22], [sflag:$0x6], $0x3200, s13, s26, $0x38;
	[tilespmem:$0xFA00] =	vst v63  }
0x6a: {  	s1 =	smov.u32 s29  }
0x6b: {  	p0 =	sne.s32 s29, $0x17700;
	s29 =	sadd.s32 $0x960, s29;
	_ =	swait.ge [sflag:s21], $0x3200  }
0x6c: {  	s1 =	sshra.s32 s1, $0x2;
	[sflag:s21] =	ssyncset.done $0x0  }
0x6d: {  	s17 =	sadd.s32 $0x3E8, s1;
	[sflag:s21] =	ssyncadd.s32 $0xFFFFCE00  }
0x6e: {  	[tilespmem:s22], [sflag:$0x3] =	stream.indirect.gather [hbm4b:s3+s13], $0x40, s17, s13, $0xb8;
	[tilespmem:$0xFA00] =	vst v63  }
0x6f: {  	s17 =	sadd.s32 $0x468, s1  }
0x70: {  	[tilespmem:s24], [sflag:$0x3] =	stream.indirect.gather [hbm4b:s3+s15], $0x40, s17, s15, $0xb8;
	[tilespmem:$0xFA00] =	vst v63  }
0x71: {  	_ =	swait.ge [sflag:s25], $0x2000  }
0x72: {  	[sflag:s25] =	ssyncset.done $0x0  }
0x73: {  	[sflag:s25] =	ssyncadd.s32 $0xFFFFE000  }
0x74: {  	_ =	swait.ge [sflag:s25], $0x1200  }
0x75: {  	[sflag:s25] =	ssyncset.done $0x0  }
0x76: {  	[sflag:s25] =	ssyncadd.s32 $0xFFFFEE00  }
0x77: {  	[hbm4b:s30+s26] =	stream.strided.scatter [tilespmem:s14], [sflag:$0x4], $0x3200, s13, s26, $0x38;
	[tilespmem:$0xFA00] =	vst v63  }
0x78: {  	_ =	swait.ge [sflag:s28], $0x3200  }
0x79: {  	[sflag:s28] =	ssyncset.done $0x0  }
0x7a: {  	s17 =	sadd.s32 $0x4B0, s1;
	[sflag:s28] =	ssyncadd.s32 $0xFFFFCE00  }
0x7b: {  	[tilespmem:s14], [sflag:$0x1] =	stream.indirect.gather [hbm4b:s3+s13], $0x40, s17, s13, $0xb8;
	[tilespmem:$0xFA00] =	vst v63  }
0x7c: {  	s17 =	sadd.s32 $0x530, s1  }
0x7d: {  	[tilespmem:s16], [sflag:$0x1] =	stream.indirect.gather [hbm4b:s3+s15], $0x40, s17, s15, $0xb8;
	[tilespmem:$0xFA00] =	vst v63  }
0x7e: {  	_ =	swait.ge [sflag:s31], $0x2000  }
0x7f: {  	[sflag:s31] =	ssyncset.done $0x0  }
0x80: {  	[sflag:s31] =	ssyncadd.s32 $0xFFFFE000  }
0x81: {  	_ =	swait.ge [sflag:s31], $0x1200  }
0x82: {  	[sflag:s31] =	ssyncset.done $0x0  }
0x83: {  	s17 =	sadd.s32 $0xC80, s30;
	[sflag:s31] =	ssyncadd.s32 $0xFFFFEE00  }
0x84: {  	[hbm4b:s17+s26] =	stream.strided.scatter [tilespmem:s18], [sflag:$0x5], $0x3200, s13, s26, $0x38;
	[tilespmem:$0xFA00] =	vst v63  }
0x85: {  	_ =	swait.ge [sflag:s0], $0x3200  }
0x86: {  	[sflag:s0] =	ssyncset.done $0x0  }
0x87: {  	s17 =	sadd.s32 $0x578, s1;
	[sflag:s0] =	ssyncadd.s32 $0xFFFFCE00  }
0x88: {  	[tilespmem:s18], [sflag:$0x2] =	stream.indirect.gather [hbm4b:s3+s13], $0x40, s17, s13, $0xb8;
	[tilespmem:$0xFA00] =	vst v63  }
0x89: {  	s1 =	sadd.s32 $0x5F8, s1  }
0x8a: {  	[tilespmem:s20], [sflag:$0x2] =	stream.indirect.gather [hbm4b:s3+s15], $0x40, s1, s15, $0xb8;
	[tilespmem:$0xFA00] =	vst v63  }
0x8b: {  	_ =	swait.ge [sflag:s19], $0x2000  }
.Ltmp0:
0x8c: {  	[sflag:s19] =	ssyncset.done $0x0;
	(pc) =	sbr.rel @p0 .LBB2_2-.Ltmp0, $4  }
0x8d: {  	[sflag:s19] =	ssyncadd.s32 $0xFFFFE000  }
0x8e: {  	_ =	swait.ge [sflag:s19], $0x1200  }
0x8f: {  	[sflag:s19] =	ssyncset.done $0x0  }
0x90: {  	s1 =	sadd.s32 $0x1900, s30;
	s30 =	sadd.s32 $0x2580, s30;
	[sflag:s19] =	ssyncadd.s32 $0xFFFFEE00  }
0x91: {  	[hbm4b:s1+s26] =	stream.strided.scatter [tilespmem:s22], [sflag:$0x6], $0x3200, s13, s26, $0x38;
	[tilespmem:$0xFA00] =	vst v63  }
0x92: {  	_ =	swait.ge [sflag:s21], $0x3200  }
0x93: {  	[sflag:s21] =	ssyncset.done $0x0  }
0x94: {  	[sflag:s21] =	ssyncadd.s32 $0xFFFFCE00  }
0x95: {  	_ =	swait.ge [sflag:s25], $0x2000  }
0x96: {  	[sflag:s25] =	ssyncset.done $0x0  }
0x97: {  	[sflag:s25] =	ssyncadd.s32 $0xFFFFE000  }
0x98: {  	_ =	swait.ge [sflag:s25], $0x1200  }
0x99: {  	[sflag:s25] =	ssyncset.done $0x0  }
0x9a: {  	[sflag:s25] =	ssyncadd.s32 $0xFFFFEE00  }
0x9b: {  	[hbm4b:s8+s26] =	stream.strided.scatter [tilespmem:s14], [sflag:$0x4], $0x3200, s13, s26, $0x38;
	[tilespmem:$0xFA00] =	vst v63  }
0x9c: {  	_ =	swait.ge [sflag:s28], $0x3200  }
0x9d: {  	[sflag:s28] =	ssyncset.done $0x0  }
0x9e: {  	[sflag:s28] =	ssyncadd.s32 $0xFFFFCE00  }
0x9f: {  	_ =	swait.ge [sflag:s31], $0x2000  }
0xa0: {  	[sflag:s31] =	ssyncset.done $0x0  }
0xa1: {  	[sflag:s31] =	ssyncadd.s32 $0xFFFFE000  }
0xa2: {  	s23 =	sadd.s32 $0x1, s23;
	_ =	swait.ge [sflag:s31], $0x1200  }
0xa3: {  	p0 =	sne.s32 s23, s10;
	[sflag:s31] =	ssyncset.done $0x0  }
.Ltmp1:
0xa4: {  	[sflag:s31] =	ssyncadd.s32 $0xFFFFEE00;
	(pc) =	sbr.rel @p0 .LBB2_1-.Ltmp1, $4  }
0xa5: {  	[hbm4b:s9+s26] =	stream.strided.scatter [tilespmem:s18], [sflag:$0x5], $0x3200, s13, s26, $0x38;
	[tilespmem:$0xFA00] =	vst v63  }
0xa6: {  	_ =	swait.ge [sflag:s0], $0x3200  }
0xa7: {  	[sflag:s0] =	ssyncset.done $0x0  }
0xa8: {  	[sflag:s0] =	ssyncadd.s32 $0xFFFFCE00  }
0xa9: {  	_ =	sfence.sel $0x180000  }
0xaa: {  	[bflag:$0x0] =	sbarrier.arrive $0xFFFF  }
0xab: {  	_ =	strace $0x90000047  }
0xac: {  	s0 =	stileid.u32;
	[bflag:$0x2] =	sbarrier.arrive $0xFFFF  }
0xad: {  	p0 =	sne.s32 s0, $0x0;
	s0 =	rddreg [dreg:$0x2]  }
0xae: {  	s0 =	sadd.s32 @!p0 $0x100000, s0  }
0xaf: {  	[sflag:s0] =	ssyncadd.tile.s32 @!p0 $0x1;
	_ =	shalt  }
.Lfunc_end2:
_tile_overlayer_lowered:
.L_overlay_start_2:
0xb0: {  	(tag) =	ssettag $0x2  }
0xb1: {  	s0 =	rddreg [dreg:$0x0];
	s2 =	stileid.u32  }
0xb2: {  	s1 =	rddreg [dreg:$0x1];
	p0 =	sne.s32 s2, $0x0  }
0xb3: {  	s3 =	rddreg [dreg:$0x2];
	[bflag:$0x3] =	sbarrier.arrive $0xFFFF;
	s2 =	simm.s32 @!p0 $0x1C07  }
0xb4: {  	[timem:s3], [sflag:s2] =	dma.local @!p0 [hbm:s0], s1  }
0xb5: {  	s0 =	simm.s32 @!p0 $0x7  }
0xb6: {  	_ =	swait.ge @!p0 [sflag:s0], s1  }
0xb7: {  	s1 =	ssub.s32 @!p0 $0x0, s1;
	[sflag:s0] =	ssyncset.done @!p0 $0x0  }
0xb8: {  	[sflag:s0] =	ssyncadd.s32 @!p0 s1  }
0xb9: {  	[bflag:$0x3] =	sbarrier.arrive $0xFFFF  }
0xba: {  	_ =	shalt  }

// kernel: sparse-core-data-format-call.cloned.1.call-start
scs
called_computation_lowered:
.L_overlay_start_0:
0x0: {  	s2 =	sld [smem:$0x3FD9]  }
0x1: {  	s3 =	sld [smem:$0x3FFE];
	_ =	sdelay $0x1  }
0x2: {  	s1 =	srdreg.scid  }
0x3: {  	s0 =	sand.u32 $0x1, s1  }
0x4: {  	s18 =	sshll.u32 s0, $0xA;
	s2 =	sadd.s32 s3, s2  }
0x5: {  	s2 =	sadd.s32 s2, s18  }
0x6: {  	[smem:$0x3FC6] =	sst s2  }
0x7: {  	_ = 	snop  }
0x8: {  	s2 =	sld [smem:$0x3FD0];
	(tm) =	ssettm $0x1  }
0x9: {  	s19 =	sld [smem:$0x3FFB];
	_ =	sdelay $0x3  }
0xa: {  	_ =	strace s19  }
0xb: {  	s3 =	sld [smem:$0x3FFC];
	_ =	sdelay $0x3  }
0xc: {  	_ =	strace s3  }
0xd: {  	s3 =	sld [smem:$0x3FFD];
	_ =	sdelay $0x3  }
0xe: {  	_ =	strace s3  }
0xf: {  	_ =	strace $0x8FFFFFFF  }
0x10: {  	s20 =	sld [smem:$0x3FDB];
	_ =	sdelay $0x1  }
0x11: {  	s4 =	simm.s32 $_scs_section_size  }
0x12: {  	s5 =	simm.s32 $_size__tile_overlayer_lowered;
	s6 =	simm.s32 $_tile_overlayer_lowered  }
0x13: {  	s23 =	simm.s32 $0x1BFF;
	s22 =	sshll.u32 s6, $0x1;
	s3 =	sadd.s32 s4, s20  }
0x14: {  	s7 =	simm.s32 $0x0;
	s21 =	sshll.u32 s5, $0x1;
	s5 =	sadd.s32 s22, s3  }
0x15: {  	[timem:s7], [sflag:s23] =	dma.local [hbm:s5], s21  }
0x16: {  	_ =	swait.ge [sflag:s23], s21  }
0x17: {  	s4 =	ssub.s32 $0x0, s21;
	[sflag:s23] =	ssyncset.done $0x0  }
0x18: {  	[sflag:s23] =	ssyncadd.s32 s4;
	_ =	sdelay $0x1  }
0x19: {  	s24 =	simm.s32 $0x1B8B  }
0x1a: {  	_ =	swait.ge [sflag:s24], $0x1  }
0x1b: {  	[sflag:s24] =	ssyncset.done $0x0  }
0x1c: {  	s26 =	simm.s32 $0x1B8E;
	s25 =	sld [smem:$0x3FFE];
	[sflag:s24] =	ssyncadd.s32 $0xFFFFFFFF  }
0x1d: {  	s27 =	simm.s32 $execute0_lowered;
	[smem:$0x3FD2] =	sst s26  }
0x1e: {  	s5 =	sshll.u32 s27, $0x1;
	_ =	strace $0x80000049;
	[dreg:$0x1] =	wrdreg $0xFFFFFFFF  }
0x1f: {  	s28 =	simm.s32 $_size_execute0_lowered;
	s3 =	sadd.s32 s3, s5;
	[dreg:$0x0] =	wrdreg $0x0  }
0x20: {  	s5 =	sshll.u32 s28, $0x1;
	[dreg:$0x2] =	wrdreg s3  }
0x21: {  	[dreg:$0x3] =	wrdreg s5  }
0x22: {  	[dreg:$0x4] =	wrdreg $0xC0  }
0x23: {  	_ =	task [dreg:s7], $0x5FFFF  }
0x24: {  	[dreg:$0x1] =	wrdreg $0xFFFFFFFF  }
0x25: {  	[dreg:$0x0] =	wrdreg $0x60  }
0x26: {  	[dreg:$0x2] =	wrdreg s25  }
0x27: {  	[dreg:$0x3] =	wrdreg s2  }
0x28: {  	[dreg:$0x4] =	wrdreg $0x9  }
0x29: {  	_ =	task.clear_ibuf [dreg:s7], $0x5FFFF;
	_ =	strace $0x90000049  }
0x2a: {  	s29 =	simm.s32 $0x9;
	_ =	strace $0x8000004B  }
0x2b: {  	_ =	swait.ge [sflag:s29], $0x1  }
0x2c: {  	[sflag:s29] =	ssyncadd.s32 $0xFFFFFFFF  }
0x2d: {  	_ =	strace $0x9000004B  }
0x2e: {  	_ =	sfence  }
0x2f: {  	s30 =	sld [smem:$0x0];
	_ =	sdelay $0x2  }
0x30: {  	s31 =	sshll.u32 s1, $0xD;
	s1 =	sshrl.u32 s1, $0x2  }
0x31: {  	s3 =	sand.u32 $0x4000, s31;
	s1 =	sadd.s32 s1, s30  }
0x32: {  	s0 =	sor.u32 s3, s0;
	s1 =	sshll.u32 s1, $0x11  }
0x33: {  	s0 =	sor.u32 s1, s0  }
0x34: {  	s0 =	sadd.s32 $0x8F2B, s0  }
0x35: {  	[sflag:s0] =	ssyncadd.remote.s32 $0x1  }
0x36: {  	_ =	sfence.sel $0xFFFF  }
0x37: {  	[dreg:$0x0] =	wrdreg $0xFFFFFFFF;
	(pc) =	sbr.abs _section_cstart, $3  }
0x38: {  	[dreg:$0x1] =	wrdreg $0xFFFFFFFF  }
0x39: {  	_ =	task.clear_ibuf [dreg:s7], $0x2FFFF;
	_ =	strace $0x9FFFFFFF  }
0x3a: {  	(tm) =	ssettm $0x7FFFFFFF  }
0x3b: {  	_ =	shalt  }
tec
execute0_lowered:
.L_overlay_start_1:
0x0: {  	(tag) =	ssettag $0x1  }
0x1: {  	s0 =	srdreg.scid  }
0x2: {  	s1 =	sshll.u32 s0, $0x4  }
0x3: {  	s0 =	stileid.u32;
	s1 =	sand.u32 $0x10, s1  }
0x4: {  	s1 =	sor.u32 s0, s1  }
0x5: {  	s6 =	rddreg [dreg:$0x0];
	s4 =	simm.s32 $0x1;
	s2 =	sshll.u32 s1, $0x7  }
0x6: {  	s7 =	simm.s32 $0x2;
	s12 =	simm.s32 $0x0;
	s1 =	ssub.s32 $0x1000, s2  }
0x7: {  	s8 =	simm.s32 $0x8000;
	s13 =	simm.s32 $0x0;
	s3 =	sand.u32 $0xF80, s1  }
0x8: {  	s9 =	simm.s32 $0x0;
	s5 =	sshrl.u32 s1, $0xC;
	p0 =	sne.s32 s3, $0x0  }
.Ltmp0:
0x9: {  	s1 =	rddreg [dreg:$0x2];
	s4 =	simm.s32 @!p0 $0x0;
	(pc) =	sbr.rel .LBB1_1-.Ltmp0, $4  }
0xa: {  	s11 =	simm.s32 $0x0;
	s3 =	rddreg [dreg:$0x1];
	s5 =	sadd.s32 s4, s5  }
0xb: {  	_ =	strace $0x8000004A;
	s4 =	simm.s32 $0x1;
	s5 =	smul.u32 $0xC8, s5  }
0xc: {  	s6 =	sadd.s32 $0xA00, s6;
	s10 =	smov.u32 s2;
	[sflag:s4] =	ssyncpa.u1 $0x0  }
0xd: {  	p0 =	por $0x0, $0x0;
	[sflag:s7] =	ssyncpa.u1 $0x0;
	s7 =	sor.u32 $0x1, s5  }
.LBB1_4:
0xe: {  	s16 =	sshll.u32 s13, $0x3;
	s17 =	sand.u32 $0x78, s13  }
0xf: {  	s30 =	sand.u32 $0x7E00, s13;
	s12 =	sshll.u32 s12, $0xF;
	s16 =	sand.u32 $0xC00, s16  }
0x10: {  	[tilespmem:s15+$0x810 ss:$0x81] =	vst.msk $0xffff, v2;
	s31 =	sand.u32 $0x7, s13;
	s16 =	sor.u32 s17, s16;
	s17 =	sadd.s32 s3, s30  }
0x11: {  	[tilespmem:s15+$0x1020 ss:$0x81] =	vst.msk $0xffff, v0;
	s13 =	sshll.u32 s31, $0x12;
	s12 =	sadd.s32 s12, s17;
	s16 =	sshrl.u32 s16, $0x3  }
0x12: {  	[tilespmem:s15+$0x0 ss:$0x81] =	vst.msk $0xffff, v1;
	s13 =	sor.u32 $0x400, s13;
	s12 =	sadd.s32 s16, s12  }
0x13: {  	[hbm4b:s12+s13] =	stream.strided.scatter [tilespmem:s14], [sflag:$0x2], $0x2000, s8, s13, $0x20;
	[tilespmem:$0x8080] =	vst v63  }
.LBB1_5:
0x14: {  	s14 =	sadd.s32 $0x1, s9  }
0x15: {  	s12 =	sadd.s32 $0x1000, s10;
	s16 =	smov.u32 s10;
	p2 =	sgt.s32 s14, $0xC7  }
0x16: {  	s16 =	smov.u32 @p2 s12  }
0x17: {  	s14 =	simm.s32 @p2 $0x0;
	p2 =	sgt.s32 s16, $0xFFF  }
0x18: {  	s16 =	smov.u32 @p2 s2;
	p2 =	sne.s32 s11, s7  }
.Ltmp1:
0x19: {  	p1 =	slt.u32 s11, $0x2;
	(pc) =	sbr.rel @!p2 .LBB1_6-.Ltmp1, $4  }
0x1a: {  	s15 =	simm.s32 @!p1 $0x2  }
0x1b: {  	s13 =	smov.u32 s10;
	p0 =	por !p0, !p0;
	_ =	swait.ge @!p1 [sflag:s15], $0x2000  }
0x1c: {  	s12 =	smov.u32 s9;
	[sflag:s15] =	ssyncset.done @!p1 $0x0;
	s9 =	smov.u32 s14  }
0x1d: {  	s11 =	sadd.s32 $0x1, s11;
	[sflag:s15] =	ssyncadd.s32 @!p1 $0xFFFFE000;
	s10 =	smov.u32 s16  }
.LBB1_1:
0x1e: {  	p1 =	sge.u32 s11, s5  }
0x1f: {  	s14 =	sand.u32 @!p1 $0x1FFFFFF, s9  }
0x20: {  	s15 =	smulhi.u32 @!p1 $0x147AE15, s14;
	_ =	sdelay $0x1  }
0x21: {  	s15 =	smul.u32 @!p1 $0xC8, s15  }
0x22: {  	s16 =	sxor.u32 @!p1 $0xFFFFFFFF, s11;
	s17 =	smul.u32 @!p1 $0xC80, s10  }
0x23: {  	s31 =	sadd.s32 $0xFFFFFFFF, s11;
	s16 =	sshll.u32 @!p1 s16, $0xD;
	s14 =	ssub.s32 @!p1 s14, s15  }
0x24: {  	s15 =	sand.u32 @!p1 $0x2000, s16;
	s16 =	sadd.s32 @!p1 s6, s17;
	s14 =	sshll.u32 @!p1 s14, $0x4  }
0x25: {  	s17 =	simm.s32 @!p1 $0x6400;
	s14 =	sadd.s32 @!p1 s14, s16;
	s16 =	simm.s32 @!p1 $0x40  }
0x26: {  	[tilespmem:s15], [sflag:$0x1] =	stream.strided.gather @!p1 [hbm4b:s14+s16], $0x2000, s17, s16, $0x38;
	[tilespmem:$0x8080] =	vst v63  }
0x27: {  	p1 =	sge.u32 s31, s5  }
.Ltmp2:
0x28: {  	_ = 	snop;
	(pc) =	sbr.rel @p1 .LBB1_5-.Ltmp2, $1  }
0x29: {  	_ =	sdelay $0x3  }
0x2a: {  	s14 =	simm.s32 $0x1  }
0x2b: {  	_ =	swait.ge [sflag:s4], $0x2000;
	s14 =	simm.s32 @!p0 $0x0  }
0x2c: {  	[sflag:s4] =	ssyncset.done $0x0;
	s15 =	sshll.u32 s14, $0xD  }
0x2d: {  	[sflag:s4] =	ssyncadd.s32 $0xFFFFE000;
	s18 =	sor.u32 $0x20, s15  }
0x2e: {  	s14 =	smul.u32 $0x8100, s14;
	v3 =	vld [tilespmem:s18+$0x10]  }
0x2f: {  	s30 =	sand.u32 $0x1, s11;
	v2 =	vld [tilespmem:s18+$0xFFFFFFF0]  }
0x30: {  	s15 =	smul.u32 $0x8100, s30;
	s14 =	sshrl.u32 s14, $0x2;
	v0 =	vld [tilespmem:s18+$0x0]  }
0x31: {  	v1 =	vld [tilespmem:s18+$0xFFFFFFE0];
	s16 =	sor.u32 $0x4000, s14  }
0x32: {  	s31 =	sshrl.u32 s15, $0x2;
	s15 =	sadd.s32 $0x0, s16  }
0x33: {  	s17 =	simm.s32 $0x4;
	s18 =	sadd.s32 $0x40, s18;
	s14 =	sor.u32 $0x4000, s31;
	[tilespmem:s15+$0x1830 ss:$0x81] =	vst.msk $0xffff, v3  }
.LBB1_3:
0x34: {  	v3 =	vld [tilespmem:s18+$0x10];
	p1 =	sne.s32 s17, $0x1FC;
	[tilespmem:s15+$0x810 ss:$0x81] =	vst.msk $0xffff, v2;
	s19 =	smov.u32 s17;
	s17 =	sadd.s32 $0x4, s17  }
.Ltmp3:
0x35: {  	v2 =	vld [tilespmem:s18+$0xFFFFFFF0];
	[tilespmem:s15+$0x1020 ss:$0x81] =	vst.msk $0xffff, v0;
	(pc) =	sbr.rel @p1 .LBB1_3-.Ltmp3, $4  }
0x36: {  	v0 =	vld [tilespmem:s18+$0x0];
	[tilespmem:s15+$0x0 ss:$0x81] =	vst.msk $0xffff, v1  }
0x37: {  	s15 =	sshra.s32 s19, $0x2;
	v1 =	vld [tilespmem:s18+$0xFFFFFFE0]  }
0x38: {  	s15 =	sadd.s32 s15, s16  }
0x39: {  	s18 =	sadd.s32 $0x40, s18;
	[tilespmem:s15+$0x1830 ss:$0x81] =	vst.msk $0xffff, v3  }
.Ltmp4:
0x3a: {  	_ = 	snop;
	(pc) =	sbr.rel .LBB1_4-.Ltmp4, $1  }
0x3b: {  	_ =	sdelay $0x3  }
.LBB1_6:
0x3c: {  	_ =	sfence.sel $0x180000  }
0x3d: {  	s2 =	simm.s32 $0x1;
	[bflag:$0x0] =	sbarrier.arrive $0xFFFF  }
0x3e: {  	s31 =	simm.s32 $0x2;
	[sflag:s2] =	ssyncpa.u1 $0x1  }
0x3f: {  	[sflag:s31] =	ssyncpa.u1 $0x1  }
0x40: {  	p0 =	sne.s32 s0, $0x0;
	_ =	strace $0x9000004A  }
0x41: {  	s0 =	sadd.s32 @!p0 $0x100000, s1;
	[bflag:$0x2] =	sbarrier.arrive $0xFFFF  }
0x42: {  	[sflag:s0] =	ssyncadd.tile.s32 @!p0 $0x1;
	_ =	shalt  }
.Lfunc_end1:
_tile_overlayer_lowered:
.L_overlay_start_2:
0x43: {  	(tag) =	ssettag $0x2  }
0x44: {  	s0 =	rddreg [dreg:$0x0];
	s2 =	stileid.u32  }
0x45: {  	s1 =	rddreg [dreg:$0x1];
	p0 =	sne.s32 s2, $0x0  }
0x46: {  	s3 =	rddreg [dreg:$0x2];
	[bflag:$0x3] =	sbarrier.arrive $0xFFFF;
	s2 =	simm.s32 @!p0 $0x1C01  }
0x47: {  	[timem:s3], [sflag:s2] =	dma.local @!p0 [hbm:s0], s1  }
0x48: {  	s0 =	simm.s32 @!p0 $0x1  }
0x49: {  	_ =	swait.ge @!p0 [sflag:s0], s1  }
0x4a: {  	s1 =	ssub.s32 @!p0 $0x0, s1;
	[sflag:s0] =	ssyncset.done @!p0 $0x0  }
0x4b: {  	[sflag:s0] =	ssyncadd.s32 @!p0 s1  }
0x4c: {  	[bflag:$0x3] =	sbarrier.arrive $0xFFFF  }
0x4d: {  	_ =	shalt  }

</sc_bundles>
